<compile_context>
chip_gen: v7x
topology: tpu7x:2x2x1
jax: 0.10.2.dev20260603
libtpu: 0.0.44.dev20260713+nightly
codegen_flags: <defaults>
</compile_context>

<pallas_src>
import functools

import jax
import jax.numpy as jnp
from jax import lax
from jax.experimental import pallas as pl
from jax.experimental.pallas import tpu as pltpu
from jax.experimental.pallas import tpu_sc as plsc

_E = 8
_NEG_INF = float("-inf")
_T = 2048


def _logits_body(x_ref, gw_ref, out_ref):
    out_ref[...] = lax.dot_general(gw_ref[...], x_ref[...],
                                   (((1,), (1,)), ((), ())),
                                   preferred_element_type=jnp.float32)


def _route_body(lg_hbm, dw_hbm, lg_ref, dw_ref):
    info = plsc.get_sparse_core_info()
    nc = info.num_cores
    wid = lax.axis_index("s") * nc + lax.axis_index("c")
    base = wid * 64
    for e in range(_E):
        pltpu.sync_copy(lg_hbm.at[pl.ds(e * _T + base, 64)],
                        lg_ref.at[pl.ds(e * 64, 64)])
    for g in range(4):
        l0 = lg_ref[pl.ds(g * 16, 16)]
        m1 = l0
        i1 = jnp.zeros((16,), jnp.int32)
        m2 = jnp.full((16,), _NEG_INF, jnp.float32)
        i2 = jnp.zeros((16,), jnp.int32)
        for e in range(1, _E):
            le = lg_ref[pl.ds(e * 64 + g * 16, 16)]
            gt1 = le > m1
            cand_m2 = jnp.where(le > m2, le, m2)
            cand_i2 = jnp.where(le > m2, e, i2)
            m2 = jnp.where(gt1, m1, cand_m2)
            i2 = jnp.where(gt1, i1, cand_i2)
            m1 = jnp.where(gt1, le, m1)
            i1 = jnp.where(gt1, e, i1)
        s = jnp.exp(m2 - m1)
        w1 = 1.0 / (1.0 + s)
        w2 = 1.0 - w1
        zero = jnp.zeros((16,), jnp.float32)
        for e in range(_E):
            col = (jnp.where(i1 == e, w1, zero)
                   + jnp.where(i2 == e, w2, zero))
            dw_ref[pl.ds(e * 64 + g * 16, 16)] = col
    for e in range(_E):
        pltpu.sync_copy(dw_ref.at[pl.ds(e * 64, 64)],
                        dw_hbm.at[pl.ds(e * _T + base, 64)])


def _moe_body(x_ref, wcol_ref, b_ref, a_ref, out_ref, xb_ref):
    e = pl.program_id(0)

    @pl.when(e == 0)
    def _prep():
        xb_ref[...] = x_ref[...].astype(jnp.bfloat16)

    abf = a_ref[0].astype(jnp.bfloat16)
    y = jnp.dot(xb_ref[...], abf, preferred_element_type=jnp.float32)
    contrib = wcol_ref[0] * (y + b_ref[0])

    @pl.when(e == 0)
    def _init():
        out_ref[...] = contrib

    @pl.when(e != 0)
    def _acc():
        out_ref[...] += contrib


@functools.partial(jax.jit, static_argnames=())
def kernel(inputs, gate_w, expert_A, expert_b):
    batch_shape = inputs.shape[:-1]
    d = inputs.shape[-1]
    x = inputs.reshape(-1, d)
    t = x.shape[0]

    logits_t = pl.pallas_call(
        _logits_body,
        in_specs=[pl.BlockSpec((t, d), lambda: (0, 0)),
                  pl.BlockSpec((_E, d), lambda: (0, 0))],
        out_specs=pl.BlockSpec((_E, t), lambda: (0, 0)),
        out_shape=jax.ShapeDtypeStruct((_E, t), jnp.float32),
    )(x, gate_w).reshape(_E * t)

    route = pl.kernel(
        _route_body,
        out_type=jax.ShapeDtypeStruct((t * _E,), jnp.float32),
        mesh=plsc.VectorSubcoreMesh(core_axis_name="c", subcore_axis_name="s"),
        scratch_types=[pltpu.VMEM((64 * _E,), jnp.float32),
                       pltpu.VMEM((64 * _E,), jnp.float32)],
    )
    wcols = route(logits_t).reshape(_E, t, 1)

    out = pl.pallas_call(
        _moe_body,
        grid=(_E,),
        in_specs=[
            pl.BlockSpec((t, d), lambda e: (0, 0)),
            pl.BlockSpec((1, t, 1), lambda e: (e, 0, 0)),
            pl.BlockSpec((1, 1, d), lambda e: (e, 0, 0)),
            pl.BlockSpec((1, d, d), lambda e: (e, 0, 0)),
        ],
        out_specs=pl.BlockSpec((t, d), lambda e: (0, 0)),
        out_shape=jax.ShapeDtypeStruct((t, d), jnp.float32),
        scratch_shapes=[
            pltpu.VMEM((t, d), jnp.bfloat16),
        ],
    )(x, wcols, expert_b.reshape(_E, 1, d), expert_A)
    return out.reshape(*batch_shape, d)

# --- scband reference (transcript-rebuilt; emitter-appended) ---
"""Pipeline reference for scband-co-lamo-elayer-18279380812215 (READ-ONLY COPY).

The authoritative reference and input builder live on the scoring server;
editing this copy changes nothing except your own understanding.
"""

import jax, jax.numpy as jnp
import numpy as np

E = 8      # num experts
K = 2      # top-k active experts
B = 1
S = 2048
D = 768    # in_features == out_features for each CoLALayer expert


def setup_inputs(seed: int = 0) -> dict:
    key = jax.random.key(seed)
    k1, k2, k3 = jax.random.split(key, 3)
    inputs = jax.random.normal(k1, (B, S, D), dtype=jnp.float32)
    # moe_gate.weight is zero-initialized in the module; we use a small random
    # gate so that top-k routing is non-degenerate (as after training).
    gate_w = jax.random.normal(k2, (E, D), dtype=jnp.float32) * 0.02
    # Each CoLALayer expert applies x @ A (+ b). A is [d_in, d_out] per expert.
    expert_A = jax.random.normal(k3, (E, D, D), dtype=jnp.float32) / np.sqrt(D)
    expert_b = jnp.zeros((E, D), dtype=jnp.float32)
    return {"inputs": inputs, "gate_w": gate_w, "expert_A": expert_A, "expert_b": expert_b}


def reference(inputs, gate_w, expert_A, expert_b):
    batch_shape = inputs.shape[:-1]
    x = inputs.reshape(-1, inputs.shape[-1])          # [T, D]
    T = x.shape[0]
    # gate: nn.Linear(in_features, E, bias=False) -> x @ W^T
    gate_logits = x @ gate_w.T                        # [T, E]
    top_k_weights, selected_experts = jax.lax.top_k(gate_logits, K)  # [T, K]
    top_k_weights = jax.nn.softmax(top_k_weights.astype(jnp.float32), axis=1).astype(x.dtype)
    # dense per-(token, expert) combine weights (scatter of top-k weights)
    dense_w = jnp.zeros((T, E), dtype=x.dtype).at[jnp.arange(T)[:, None], selected_experts].add(top_k_weights)
    # each expert: CoLALayer forward = x @ A + b
    expert_out = jnp.einsum('td,edo->teo', x, expert_A) + expert_b[None, :, :]  # [T, E, D]
    out = jnp.sum(dense_w[:, :, None] * expert_out, axis=1)                      # [T, D]
    return out.reshape(*batch_shape, -1)

if __name__ == "__main__":
    import jax
    _d = setup_inputs()
    print(jax.jit(kernel)(*tuple(_d.values())))

</pallas_src>

<mosaic_0001>
#map = affine_map<(d0, d1) -> (0)>
module attributes {stable_mosaic.version = 14 : i64} {
  func.func @_route_body(%arg0: i32, %arg1: i32, %arg2: memref<16384xf32, #tpu.memory_space<hbm>>, %arg3: memref<16384xf32, #tpu.memory_space<hbm>>, %arg4: memref<512xf32, #tpu.memory_space<vmem>>, %arg5: memref<512xf32, #tpu.memory_space<vmem>>) attributes {dimension_semantics = [#tpu.dimension_semantics<core_parallel>, #tpu.dimension_semantics<subcore_parallel>], iteration_bounds = array<i64: 2, 16>, scalar_prefetch = 0 : i64, scratch_operands = 2 : i64, tpu.core_type = #tpu.core_type<sc_vector_subcore>, window_params = [{transform_indices = #map}, {transform_indices = #map}]} {
    %mul3A = arith.constant 2 : i32
    %mul3A_0 = arith.muli %arg1, %mul3A : i32
    %add3A = arith.addi %mul3A_0, %arg0 : i32
    %mul3A_1 = arith.constant 64 : i32
    %mul3A_2 = arith.muli %add3A, %mul3A_1 : i32
    %add3A_3 = arith.constant 0 : i32
    %add3A_4 = arith.addi %add3A_3, %mul3A_2 : i32
    "tpu.region"() ({
      %run_scoped3A = tpu.sem_alloc : memref<!tpu.dma_semaphore, #tpu.memory_space<semaphore_mem>>
      %dma_start3A = arith.constant 0 : i32
      %dma_start3A_977 = tpu.memref_slice %arg4[%dma_start3A] : memref<512xf32, #tpu.memory_space<vmem>> -> memref<64xf32, #tpu.memory_space<vmem>>
      %dma_start3A_978 = tpu.memref_slice %arg2[%add3A_4] : memref<16384xf32, #tpu.memory_space<hbm>> -> memref<64xf32, #tpu.memory_space<hbm>>
      %dma_start3A_979 = arith.constant 0 : i32
      %dma_start3A_980 = tpu.memref_slice %arg4[%dma_start3A_979] : memref<512xf32, #tpu.memory_space<vmem>> -> memref<64xf32, #tpu.memory_space<vmem>>
      %dma_start3A_981 = tpu.memref_slice %arg2[%add3A_4] : memref<16384xf32, #tpu.memory_space<hbm>> -> memref<64xf32, #tpu.memory_space<hbm>>
      tpu.enqueue_dma source(%dma_start3A_981 : memref<64xf32, #tpu.memory_space<hbm>>) target(%dma_start3A_980 : memref<64xf32, #tpu.memory_space<vmem>>) target_semaphore(%run_scoped3A : memref<!tpu.dma_semaphore, #tpu.memory_space<semaphore_mem>>)
      %dma_wait3A = arith.constant 0 : i32
      %dma_wait3A_982 = tpu.memref_slice %arg4[%dma_wait3A] : memref<512xf32, #tpu.memory_space<vmem>> -> memref<64xf32, #tpu.memory_space<vmem>>
      %dma_wait3A_983 = tpu.memref_slice %arg2[%add3A_4] : memref<16384xf32, #tpu.memory_space<hbm>> -> memref<64xf32, #tpu.memory_space<hbm>>
      %dma_wait3A_984 = arith.constant 0 : i32
      %dma_wait3A_985 = tpu.memref_slice %arg4[%dma_wait3A_984] : memref<512xf32, #tpu.memory_space<vmem>> -> memref<64xf32, #tpu.memory_space<vmem>>
      %dma_wait3A_986 = tpu.memref_slice %arg2[%add3A_4] : memref<16384xf32, #tpu.memory_space<hbm>> -> memref<64xf32, #tpu.memory_space<hbm>>
      tpu.wait_dma2 semaphore(%run_scoped3A : memref<!tpu.dma_semaphore, #tpu.memory_space<semaphore_mem>>) src(%dma_wait3A_986 : memref<64xf32, #tpu.memory_space<hbm>>) dst(%dma_wait3A_985 : memref<64xf32, #tpu.memory_space<vmem>>)
      tpu.yield
    }) : () -> ()
    %add3A_5 = arith.constant 2048 : i32
    %add3A_6 = arith.addi %add3A_5, %mul3A_2 : i32
    "tpu.region"() ({
      %run_scoped3A = tpu.sem_alloc : memref<!tpu.dma_semaphore, #tpu.memory_space<semaphore_mem>>
      %dma_start3A = arith.constant 64 : i32
      %dma_start3A_977 = tpu.memref_slice %arg4[%dma_start3A] : memref<512xf32, #tpu.memory_space<vmem>> -> memref<64xf32, #tpu.memory_space<vmem>>
      %dma_start3A_978 = tpu.memref_slice %arg2[%add3A_6] : memref<16384xf32, #tpu.memory_space<hbm>> -> memref<64xf32, #tpu.memory_space<hbm>>
      %dma_start3A_979 = arith.constant 64 : i32
      %dma_start3A_980 = tpu.memref_slice %arg4[%dma_start3A_979] : memref<512xf32, #tpu.memory_space<vmem>> -> memref<64xf32, #tpu.memory_space<vmem>>
      %dma_start3A_981 = tpu.memref_slice %arg2[%add3A_6] : memref<16384xf32, #tpu.memory_space<hbm>> -> memref<64xf32, #tpu.memory_space<hbm>>
      tpu.enqueue_dma source(%dma_start3A_981 : memref<64xf32, #tpu.memory_space<hbm>>) target(%dma_start3A_980 : memref<64xf32, #tpu.memory_space<vmem>>) target_semaphore(%run_scoped3A : memref<!tpu.dma_semaphore, #tpu.memory_space<semaphore_mem>>)
      %dma_wait3A = arith.constant 64 : i32
      %dma_wait3A_982 = tpu.memref_slice %arg4[%dma_wait3A] : memref<512xf32, #tpu.memory_space<vmem>> -> memref<64xf32, #tpu.memory_space<vmem>>
      %dma_wait3A_983 = tpu.memref_slice %arg2[%add3A_6] : memref<16384xf32, #tpu.memory_space<hbm>> -> memref<64xf32, #tpu.memory_space<hbm>>
      %dma_wait3A_984 = arith.constant 64 : i32
      %dma_wait3A_985 = tpu.memref_slice %arg4[%dma_wait3A_984] : memref<512xf32, #tpu.memory_space<vmem>> -> memref<64xf32, #tpu.memory_space<vmem>>
      %dma_wait3A_986 = tpu.memref_slice %arg2[%add3A_6] : memref<16384xf32, #tpu.memory_space<hbm>> -> memref<64xf32, #tpu.memory_space<hbm>>
      tpu.wait_dma2 semaphore(%run_scoped3A : memref<!tpu.dma_semaphore, #tpu.memory_space<semaphore_mem>>) src(%dma_wait3A_986 : memref<64xf32, #tpu.memory_space<hbm>>) dst(%dma_wait3A_985 : memref<64xf32, #tpu.memory_space<vmem>>)
      tpu.yield
    }) : () -> ()
    %add3A_7 = arith.constant 4096 : i32
    %add3A_8 = arith.addi %add3A_7, %mul3A_2 : i32
    "tpu.region"() ({
      %run_scoped3A = tpu.sem_alloc : memref<!tpu.dma_semaphore, #tpu.memory_space<semaphore_mem>>
      %dma_start3A = arith.constant 128 : i32
      %dma_start3A_977 = tpu.memref_slice %arg4[%dma_start3A] : memref<512xf32, #tpu.memory_space<vmem>> -> memref<64xf32, #tpu.memory_space<vmem>>
      %dma_start3A_978 = tpu.memref_slice %arg2[%add3A_8] : memref<16384xf32, #tpu.memory_space<hbm>> -> memref<64xf32, #tpu.memory_space<hbm>>
      %dma_start3A_979 = arith.constant 128 : i32
      %dma_start3A_980 = tpu.memref_slice %arg4[%dma_start3A_979] : memref<512xf32, #tpu.memory_space<vmem>> -> memref<64xf32, #tpu.memory_space<vmem>>
      %dma_start3A_981 = tpu.memref_slice %arg2[%add3A_8] : memref<16384xf32, #tpu.memory_space<hbm>> -> memref<64xf32, #tpu.memory_space<hbm>>
      tpu.enqueue_dma source(%dma_start3A_981 : memref<64xf32, #tpu.memory_space<hbm>>) target(%dma_start3A_980 : memref<64xf32, #tpu.memory_space<vmem>>) target_semaphore(%run_scoped3A : memref<!tpu.dma_semaphore, #tpu.memory_space<semaphore_mem>>)
      %dma_wait3A = arith.constant 128 : i32
      %dma_wait3A_982 = tpu.memref_slice %arg4[%dma_wait3A] : memref<512xf32, #tpu.memory_space<vmem>> -> memref<64xf32, #tpu.memory_space<vmem>>
      %dma_wait3A_983 = tpu.memref_slice %arg2[%add3A_8] : memref<16384xf32, #tpu.memory_space<hbm>> -> memref<64xf32, #tpu.memory_space<hbm>>
      %dma_wait3A_984 = arith.constant 128 : i32
      %dma_wait3A_985 = tpu.memref_slice %arg4[%dma_wait3A_984] : memref<512xf32, #tpu.memory_space<vmem>> -> memref<64xf32, #tpu.memory_space<vmem>>
      %dma_wait3A_986 = tpu.memref_slice %arg2[%add3A_8] : memref<16384xf32, #tpu.memory_space<hbm>> -> memref<64xf32, #tpu.memory_space<hbm>>
      tpu.wait_dma2 semaphore(%run_scoped3A : memref<!tpu.dma_semaphore, #tpu.memory_space<semaphore_mem>>) src(%dma_wait3A_986 : memref<64xf32, #tpu.memory_space<hbm>>) dst(%dma_wait3A_985 : memref<64xf32, #tpu.memory_space<vmem>>)
      tpu.yield
    }) : () -> ()
    %add3A_9 = arith.constant 6144 : i32
    %add3A_10 = arith.addi %add3A_9, %mul3A_2 : i32
    "tpu.region"() ({
      %run_scoped3A = tpu.sem_alloc : memref<!tpu.dma_semaphore, #tpu.memory_space<semaphore_mem>>
      %dma_start3A = arith.constant 192 : i32
      %dma_start3A_977 = tpu.memref_slice %arg4[%dma_start3A] : memref<512xf32, #tpu.memory_space<vmem>> -> memref<64xf32, #tpu.memory_space<vmem>>
      %dma_start3A_978 = tpu.memref_slice %arg2[%add3A_10] : memref<16384xf32, #tpu.memory_space<hbm>> -> memref<64xf32, #tpu.memory_space<hbm>>
      %dma_start3A_979 = arith.constant 192 : i32
      %dma_start3A_980 = tpu.memref_slice %arg4[%dma_start3A_979] : memref<512xf32, #tpu.memory_space<vmem>> -> memref<64xf32, #tpu.memory_space<vmem>>
      %dma_start3A_981 = tpu.memref_slice %arg2[%add3A_10] : memref<16384xf32, #tpu.memory_space<hbm>> -> memref<64xf32, #tpu.memory_space<hbm>>
      tpu.enqueue_dma source(%dma_start3A_981 : memref<64xf32, #tpu.memory_space<hbm>>) target(%dma_start3A_980 : memref<64xf32, #tpu.memory_space<vmem>>) target_semaphore(%run_scoped3A : memref<!tpu.dma_semaphore, #tpu.memory_space<semaphore_mem>>)
      %dma_wait3A = arith.constant 192 : i32
      %dma_wait3A_982 = tpu.memref_slice %arg4[%dma_wait3A] : memref<512xf32, #tpu.memory_space<vmem>> -> memref<64xf32, #tpu.memory_space<vmem>>
      %dma_wait3A_983 = tpu.memref_slice %arg2[%add3A_10] : memref<16384xf32, #tpu.memory_space<hbm>> -> memref<64xf32, #tpu.memory_space<hbm>>
      %dma_wait3A_984 = arith.constant 192 : i32
      %dma_wait3A_985 = tpu.memref_slice %arg4[%dma_wait3A_984] : memref<512xf32, #tpu.memory_space<vmem>> -> memref<64xf32, #tpu.memory_space<vmem>>
      %dma_wait3A_986 = tpu.memref_slice %arg2[%add3A_10] : memref<16384xf32, #tpu.memory_space<hbm>> -> memref<64xf32, #tpu.memory_space<hbm>>
      tpu.wait_dma2 semaphore(%run_scoped3A : memref<!tpu.dma_semaphore, #tpu.memory_space<semaphore_mem>>) src(%dma_wait3A_986 : memref<64xf32, #tpu.memory_space<hbm>>) dst(%dma_wait3A_985 : memref<64xf32, #tpu.memory_space<vmem>>)
      tpu.yield
    }) : () -> ()
    %add3A_11 = arith.constant 8192 : i32
    %add3A_12 = arith.addi %add3A_11, %mul3A_2 : i32
    "tpu.region"() ({
      %run_scoped3A = tpu.sem_alloc : memref<!tpu.dma_semaphore, #tpu.memory_space<semaphore_mem>>
      %dma_start3A = arith.constant 256 : i32
      %dma_start3A_977 = tpu.memref_slice %arg4[%dma_start3A] : memref<512xf32, #tpu.memory_space<vmem>> -> memref<64xf32, #tpu.memory_space<vmem>>
      %dma_start3A_978 = tpu.memref_slice %arg2[%add3A_12] : memref<16384xf32, #tpu.memory_space<hbm>> -> memref<64xf32, #tpu.memory_space<hbm>>
      %dma_start3A_979 = arith.constant 256 : i32
      %dma_start3A_980 = tpu.memref_slice %arg4[%dma_start3A_979] : memref<512xf32, #tpu.memory_space<vmem>> -> memref<64xf32, #tpu.memory_space<vmem>>
      %dma_start3A_981 = tpu.memref_slice %arg2[%add3A_12] : memref<16384xf32, #tpu.memory_space<hbm>> -> memref<64xf32, #tpu.memory_space<hbm>>
      tpu.enqueue_dma source(%dma_start3A_981 : memref<64xf32, #tpu.memory_space<hbm>>) target(%dma_start3A_980 : memref<64xf32, #tpu.memory_space<vmem>>) target_semaphore(%run_scoped3A : memref<!tpu.dma_semaphore, #tpu.memory_space<semaphore_mem>>)
      %dma_wait3A = arith.constant 256 : i32
      %dma_wait3A_982 = tpu.memref_slice %arg4[%dma_wait3A] : memref<512xf32, #tpu.memory_space<vmem>> -> memref<64xf32, #tpu.memory_space<vmem>>
      %dma_wait3A_983 = tpu.memref_slice %arg2[%add3A_12] : memref<16384xf32, #tpu.memory_space<hbm>> -> memref<64xf32, #tpu.memory_space<hbm>>
      %dma_wait3A_984 = arith.constant 256 : i32
      %dma_wait3A_985 = tpu.memref_slice %arg4[%dma_wait3A_984] : memref<512xf32, #tpu.memory_space<vmem>> -> memref<64xf32, #tpu.memory_space<vmem>>
      %dma_wait3A_986 = tpu.memref_slice %arg2[%add3A_12] : memref<16384xf32, #tpu.memory_space<hbm>> -> memref<64xf32, #tpu.memory_space<hbm>>
      tpu.wait_dma2 semaphore(%run_scoped3A : memref<!tpu.dma_semaphore, #tpu.memory_space<semaphore_mem>>) src(%dma_wait3A_986 : memref<64xf32, #tpu.memory_space<hbm>>) dst(%dma_wait3A_985 : memref<64xf32, #tpu.memory_space<vmem>>)
      tpu.yield
    }) : () -> ()
    %add3A_13 = arith.constant 10240 : i32
    %add3A_14 = arith.addi %add3A_13, %mul3A_2 : i32
    "tpu.region"() ({
      %run_scoped3A = tpu.sem_alloc : memref<!tpu.dma_semaphore, #tpu.memory_space<semaphore_mem>>
      %dma_start3A = arith.constant 320 : i32
      %dma_start3A_977 = tpu.memref_slice %arg4[%dma_start3A] : memref<512xf32, #tpu.memory_space<vmem>> -> memref<64xf32, #tpu.memory_space<vmem>>
      %dma_start3A_978 = tpu.memref_slice %arg2[%add3A_14] : memref<16384xf32, #tpu.memory_space<hbm>> -> memref<64xf32, #tpu.memory_space<hbm>>
      %dma_start3A_979 = arith.constant 320 : i32
      %dma_start3A_980 = tpu.memref_slice %arg4[%dma_start3A_979] : memref<512xf32, #tpu.memory_space<vmem>> -> memref<64xf32, #tpu.memory_space<vmem>>
      %dma_start3A_981 = tpu.memref_slice %arg2[%add3A_14] : memref<16384xf32, #tpu.memory_space<hbm>> -> memref<64xf32, #tpu.memory_space<hbm>>
      tpu.enqueue_dma source(%dma_start3A_981 : memref<64xf32, #tpu.memory_space<hbm>>) target(%dma_start3A_980 : memref<64xf32, #tpu.memory_space<vmem>>) target_semaphore(%run_scoped3A : memref<!tpu.dma_semaphore, #tpu.memory_space<semaphore_mem>>)
      %dma_wait3A = arith.constant 320 : i32
      %dma_wait3A_982 = tpu.memref_slice %arg4[%dma_wait3A] : memref<512xf32, #tpu.memory_space<vmem>> -> memref<64xf32, #tpu.memory_space<vmem>>
      %dma_wait3A_983 = tpu.memref_slice %arg2[%add3A_14] : memref<16384xf32, #tpu.memory_space<hbm>> -> memref<64xf32, #tpu.memory_space<hbm>>
      %dma_wait3A_984 = arith.constant 320 : i32
      %dma_wait3A_985 = tpu.memref_slice %arg4[%dma_wait3A_984] : memref<512xf32, #tpu.memory_space<vmem>> -> memref<64xf32, #tpu.memory_space<vmem>>
      %dma_wait3A_986 = tpu.memref_slice %arg2[%add3A_14] : memref<16384xf32, #tpu.memory_space<hbm>> -> memref<64xf32, #tpu.memory_space<hbm>>
      tpu.wait_dma2 semaphore(%run_scoped3A : memref<!tpu.dma_semaphore, #tpu.memory_space<semaphore_mem>>) src(%dma_wait3A_986 : memref<64xf32, #tpu.memory_space<hbm>>) dst(%dma_wait3A_985 : memref<64xf32, #tpu.memory_space<vmem>>)
      tpu.yield
    }) : () -> ()
    %add3A_15 = arith.constant 12288 : i32
    %add3A_16 = arith.addi %add3A_15, %mul3A_2 : i32
    "tpu.region"() ({
      %run_scoped3A = tpu.sem_alloc : memref<!tpu.dma_semaphore, #tpu.memory_space<semaphore_mem>>
      %dma_start3A = arith.constant 384 : i32
      %dma_start3A_977 = tpu.memref_slice %arg4[%dma_start3A] : memref<512xf32, #tpu.memory_space<vmem>> -> memref<64xf32, #tpu.memory_space<vmem>>
      %dma_start3A_978 = tpu.memref_slice %arg2[%add3A_16] : memref<16384xf32, #tpu.memory_space<hbm>> -> memref<64xf32, #tpu.memory_space<hbm>>
      %dma_start3A_979 = arith.constant 384 : i32
      %dma_start3A_980 = tpu.memref_slice %arg4[%dma_start3A_979] : memref<512xf32, #tpu.memory_space<vmem>> -> memref<64xf32, #tpu.memory_space<vmem>>
      %dma_start3A_981 = tpu.memref_slice %arg2[%add3A_16] : memref<16384xf32, #tpu.memory_space<hbm>> -> memref<64xf32, #tpu.memory_space<hbm>>
      tpu.enqueue_dma source(%dma_start3A_981 : memref<64xf32, #tpu.memory_space<hbm>>) target(%dma_start3A_980 : memref<64xf32, #tpu.memory_space<vmem>>) target_semaphore(%run_scoped3A : memref<!tpu.dma_semaphore, #tpu.memory_space<semaphore_mem>>)
      %dma_wait3A = arith.constant 384 : i32
      %dma_wait3A_982 = tpu.memref_slice %arg4[%dma_wait3A] : memref<512xf32, #tpu.memory_space<vmem>> -> memref<64xf32, #tpu.memory_space<vmem>>
      %dma_wait3A_983 = tpu.memref_slice %arg2[%add3A_16] : memref<16384xf32, #tpu.memory_space<hbm>> -> memref<64xf32, #tpu.memory_space<hbm>>
      %dma_wait3A_984 = arith.constant 384 : i32
      %dma_wait3A_985 = tpu.memref_slice %arg4[%dma_wait3A_984] : memref<512xf32, #tpu.memory_space<vmem>> -> memref<64xf32, #tpu.memory_space<vmem>>
      %dma_wait3A_986 = tpu.memref_slice %arg2[%add3A_16] : memref<16384xf32, #tpu.memory_space<hbm>> -> memref<64xf32, #tpu.memory_space<hbm>>
      tpu.wait_dma2 semaphore(%run_scoped3A : memref<!tpu.dma_semaphore, #tpu.memory_space<semaphore_mem>>) src(%dma_wait3A_986 : memref<64xf32, #tpu.memory_space<hbm>>) dst(%dma_wait3A_985 : memref<64xf32, #tpu.memory_space<vmem>>)
      tpu.yield
    }) : () -> ()
    %add3A_17 = arith.constant 14336 : i32
    %add3A_18 = arith.addi %add3A_17, %mul3A_2 : i32
    "tpu.region"() ({
      %run_scoped3A = tpu.sem_alloc : memref<!tpu.dma_semaphore, #tpu.memory_space<semaphore_mem>>
      %dma_start3A = arith.constant 448 : i32
      %dma_start3A_977 = tpu.memref_slice %arg4[%dma_start3A] : memref<512xf32, #tpu.memory_space<vmem>> -> memref<64xf32, #tpu.memory_space<vmem>>
      %dma_start3A_978 = tpu.memref_slice %arg2[%add3A_18] : memref<16384xf32, #tpu.memory_space<hbm>> -> memref<64xf32, #tpu.memory_space<hbm>>
      %dma_start3A_979 = arith.constant 448 : i32
      %dma_start3A_980 = tpu.memref_slice %arg4[%dma_start3A_979] : memref<512xf32, #tpu.memory_space<vmem>> -> memref<64xf32, #tpu.memory_space<vmem>>
      %dma_start3A_981 = tpu.memref_slice %arg2[%add3A_18] : memref<16384xf32, #tpu.memory_space<hbm>> -> memref<64xf32, #tpu.memory_space<hbm>>
      tpu.enqueue_dma source(%dma_start3A_981 : memref<64xf32, #tpu.memory_space<hbm>>) target(%dma_start3A_980 : memref<64xf32, #tpu.memory_space<vmem>>) target_semaphore(%run_scoped3A : memref<!tpu.dma_semaphore, #tpu.memory_space<semaphore_mem>>)
      %dma_wait3A = arith.constant 448 : i32
      %dma_wait3A_982 = tpu.memref_slice %arg4[%dma_wait3A] : memref<512xf32, #tpu.memory_space<vmem>> -> memref<64xf32, #tpu.memory_space<vmem>>
      %dma_wait3A_983 = tpu.memref_slice %arg2[%add3A_18] : memref<16384xf32, #tpu.memory_space<hbm>> -> memref<64xf32, #tpu.memory_space<hbm>>
      %dma_wait3A_984 = arith.constant 448 : i32
      %dma_wait3A_985 = tpu.memref_slice %arg4[%dma_wait3A_984] : memref<512xf32, #tpu.memory_space<vmem>> -> memref<64xf32, #tpu.memory_space<vmem>>
      %dma_wait3A_986 = tpu.memref_slice %arg2[%add3A_18] : memref<16384xf32, #tpu.memory_space<hbm>> -> memref<64xf32, #tpu.memory_space<hbm>>
      tpu.wait_dma2 semaphore(%run_scoped3A : memref<!tpu.dma_semaphore, #tpu.memory_space<semaphore_mem>>) src(%dma_wait3A_986 : memref<64xf32, #tpu.memory_space<hbm>>) dst(%dma_wait3A_985 : memref<64xf32, #tpu.memory_space<vmem>>)
      tpu.yield
    }) : () -> ()
    %get3A = arith.constant 0 : index
    %get3A_19 = tpu.vector_load %arg4[%get3A] {strides = array<i32>} : memref<512xf32, #tpu.memory_space<vmem>>, vector<16xf32>,
    %get3A_20 = vector.shape_cast %get3A_19 : vector<16xf32> to vector<16xf32>
    %broadcast_in_dim3A = arith.constant 0 : i32
    %broadcast_in_dim3A_21 = vector.broadcast %broadcast_in_dim3A : i32 to vector<16xi32>
    %broadcast_in_dim3A_22 = arith.constant 0xFF800000 : f32
    %broadcast_in_dim3A_23 = vector.broadcast %broadcast_in_dim3A_22 : f32 to vector<16xf32>
    %broadcast_in_dim3A_24 = arith.constant 0 : i32
    %broadcast_in_dim3A_25 = vector.broadcast %broadcast_in_dim3A_24 : i32 to vector<16xi32>
    %get3A_26 = arith.constant 64 : index
    %get3A_27 = tpu.vector_load %arg4[%get3A_26] {strides = array<i32>} : memref<512xf32, #tpu.memory_space<vmem>>, vector<16xf32>,
    %get3A_28 = vector.shape_cast %get3A_27 : vector<16xf32> to vector<16xf32>
    %gt3A = arith.cmpf ogt, %get3A_28, %get3A_20 : vector<16xf32>
    %gt3A_29 = arith.cmpf ogt, %get3A_28, %broadcast_in_dim3A_23 : vector<16xf32>
    %select_n3A = arith.select %gt3A_29, %get3A_28, %broadcast_in_dim3A_23 : vector<16xi1>, vector<16xf32>
    %gt3A_30 = arith.cmpf ogt, %get3A_28, %broadcast_in_dim3A_23 : vector<16xf32>
    %jit3A = arith.constant 1 : i32
    %broadcast_in_dim3A_31 = vector.broadcast %jit3A : i32 to vector<16xi32>
    %select_n3A_32 = arith.select %gt3A_30, %broadcast_in_dim3A_31, %broadcast_in_dim3A_25 : vector<16xi1>, vector<16xi32>
    %select_n3A_33 = arith.select %gt3A, %get3A_20, %select_n3A : vector<16xi1>, vector<16xf32>
    %select_n3A_34 = arith.select %gt3A, %broadcast_in_dim3A_21, %select_n3A_32 : vector<16xi1>, vector<16xi32>
    %select_n3A_35 = arith.select %gt3A, %get3A_28, %get3A_20 : vector<16xi1>, vector<16xf32>
    %jit3A_36 = arith.constant 1 : i32
    %broadcast_in_dim3A_37 = vector.broadcast %jit3A_36 : i32 to vector<16xi32>
    %select_n3A_38 = arith.select %gt3A, %broadcast_in_dim3A_37, %broadcast_in_dim3A_21 : vector<16xi1>, vector<16xi32>
    %get3A_39 = arith.constant 128 : index
    %get3A_40 = tpu.vector_load %arg4[%get3A_39] {strides = array<i32>} : memref<512xf32, #tpu.memory_space<vmem>>, vector<16xf32>,
    %get3A_41 = vector.shape_cast %get3A_40 : vector<16xf32> to vector<16xf32>
    %gt3A_42 = arith.cmpf ogt, %get3A_41, %select_n3A_35 : vector<16xf32>
    %gt3A_43 = arith.cmpf ogt, %get3A_41, %select_n3A_33 : vector<16xf32>
    %select_n3A_44 = arith.select %gt3A_43, %get3A_41, %select_n3A_33 : vector<16xi1>, vector<16xf32>
    %gt3A_45 = arith.cmpf ogt, %get3A_41, %select_n3A_33 : vector<16xf32>
    %jit3A_46 = arith.constant 2 : i32
    %broadcast_in_dim3A_47 = vector.broadcast %jit3A_46 : i32 to vector<16xi32>
    %select_n3A_48 = arith.select %gt3A_45, %broadcast_in_dim3A_47, %select_n3A_34 : vector<16xi1>, vector<16xi32>
    %select_n3A_49 = arith.select %gt3A_42, %select_n3A_35, %select_n3A_44 : vector<16xi1>, vector<16xf32>
    %select_n3A_50 = arith.select %gt3A_42, %select_n3A_38, %select_n3A_48 : vector<16xi1>, vector<16xi32>
    %select_n3A_51 = arith.select %gt3A_42, %get3A_41, %select_n3A_35 : vector<16xi1>, vector<16xf32>
    %jit3A_52 = arith.constant 2 : i32
    %broadcast_in_dim3A_53 = vector.broadcast %jit3A_52 : i32 to vector<16xi32>
    %select_n3A_54 = arith.select %gt3A_42, %broadcast_in_dim3A_53, %select_n3A_38 : vector<16xi1>, vector<16xi32>
    %get3A_55 = arith.constant 192 : index
    %get3A_56 = tpu.vector_load %arg4[%get3A_55] {strides = array<i32>} : memref<512xf32, #tpu.memory_space<vmem>>, vector<16xf32>,
    %get3A_57 = vector.shape_cast %get3A_56 : vector<16xf32> to vector<16xf32>
    %gt3A_58 = arith.cmpf ogt, %get3A_57, %select_n3A_51 : vector<16xf32>
    %gt3A_59 = arith.cmpf ogt, %get3A_57, %select_n3A_49 : vector<16xf32>
    %select_n3A_60 = arith.select %gt3A_59, %get3A_57, %select_n3A_49 : vector<16xi1>, vector<16xf32>
    %gt3A_61 = arith.cmpf ogt, %get3A_57, %select_n3A_49 : vector<16xf32>
    %jit3A_62 = arith.constant 3 : i32
    %broadcast_in_dim3A_63 = vector.broadcast %jit3A_62 : i32 to vector<16xi32>
    %select_n3A_64 = arith.select %gt3A_61, %broadcast_in_dim3A_63, %select_n3A_50 : vector<16xi1>, vector<16xi32>
    %select_n3A_65 = arith.select %gt3A_58, %select_n3A_51, %select_n3A_60 : vector<16xi1>, vector<16xf32>
    %select_n3A_66 = arith.select %gt3A_58, %select_n3A_54, %select_n3A_64 : vector<16xi1>, vector<16xi32>
    %select_n3A_67 = arith.select %gt3A_58, %get3A_57, %select_n3A_51 : vector<16xi1>, vector<16xf32>
    %jit3A_68 = arith.constant 3 : i32
    %broadcast_in_dim3A_69 = vector.broadcast %jit3A_68 : i32 to vector<16xi32>
    %select_n3A_70 = arith.select %gt3A_58, %broadcast_in_dim3A_69, %select_n3A_54 : vector<16xi1>, vector<16xi32>
    %get3A_71 = arith.constant 256 : index
    %get3A_72 = tpu.vector_load %arg4[%get3A_71] {strides = array<i32>} : memref<512xf32, #tpu.memory_space<vmem>>, vector<16xf32>,
    %get3A_73 = vector.shape_cast %get3A_72 : vector<16xf32> to vector<16xf32>
    %gt3A_74 = arith.cmpf ogt, %get3A_73, %select_n3A_67 : vector<16xf32>
    %gt3A_75 = arith.cmpf ogt, %get3A_73, %select_n3A_65 : vector<16xf32>
    %select_n3A_76 = arith.select %gt3A_75, %get3A_73, %select_n3A_65 : vector<16xi1>, vector<16xf32>
    %gt3A_77 = arith.cmpf ogt, %get3A_73, %select_n3A_65 : vector<16xf32>
    %jit3A_78 = arith.constant 4 : i32
    %broadcast_in_dim3A_79 = vector.broadcast %jit3A_78 : i32 to vector<16xi32>
    %select_n3A_80 = arith.select %gt3A_77, %broadcast_in_dim3A_79, %select_n3A_66 : vector<16xi1>, vector<16xi32>
    %select_n3A_81 = arith.select %gt3A_74, %select_n3A_67, %select_n3A_76 : vector<16xi1>, vector<16xf32>
    %select_n3A_82 = arith.select %gt3A_74, %select_n3A_70, %select_n3A_80 : vector<16xi1>, vector<16xi32>
    %select_n3A_83 = arith.select %gt3A_74, %get3A_73, %select_n3A_67 : vector<16xi1>, vector<16xf32>
    %jit3A_84 = arith.constant 4 : i32
    %broadcast_in_dim3A_85 = vector.broadcast %jit3A_84 : i32 to vector<16xi32>
    %select_n3A_86 = arith.select %gt3A_74, %broadcast_in_dim3A_85, %select_n3A_70 : vector<16xi1>, vector<16xi32>
    %get3A_87 = arith.constant 320 : index
    %get3A_88 = tpu.vector_load %arg4[%get3A_87] {strides = array<i32>} : memref<512xf32, #tpu.memory_space<vmem>>, vector<16xf32>,
    %get3A_89 = vector.shape_cast %get3A_88 : vector<16xf32> to vector<16xf32>
    %gt3A_90 = arith.cmpf ogt, %get3A_89, %select_n3A_83 : vector<16xf32>
    %gt3A_91 = arith.cmpf ogt, %get3A_89, %select_n3A_81 : vector<16xf32>
    %select_n3A_92 = arith.select %gt3A_91, %get3A_89, %select_n3A_81 : vector<16xi1>, vector<16xf32>
    %gt3A_93 = arith.cmpf ogt, %get3A_89, %select_n3A_81 : vector<16xf32>
    %jit3A_94 = arith.constant 5 : i32
    %broadcast_in_dim3A_95 = vector.broadcast %jit3A_94 : i32 to vector<16xi32>
    %select_n3A_96 = arith.select %gt3A_93, %broadcast_in_dim3A_95, %select_n3A_82 : vector<16xi1>, vector<16xi32>
    %select_n3A_97 = arith.select %gt3A_90, %select_n3A_83, %select_n3A_92 : vector<16xi1>, vector<16xf32>
    %select_n3A_98 = arith.select %gt3A_90, %select_n3A_86, %select_n3A_96 : vector<16xi1>, vector<16xi32>
    %select_n3A_99 = arith.select %gt3A_90, %get3A_89, %select_n3A_83 : vector<16xi1>, vector<16xf32>
    %jit3A_100 = arith.constant 5 : i32
    %broadcast_in_dim3A_101 = vector.broadcast %jit3A_100 : i32 to vector<16xi32>
    %select_n3A_102 = arith.select %gt3A_90, %broadcast_in_dim3A_101, %select_n3A_86 : vector<16xi1>, vector<16xi32>
    %get3A_103 = arith.constant 384 : index
    %get3A_104 = tpu.vector_load %arg4[%get3A_103] {strides = array<i32>} : memref<512xf32, #tpu.memory_space<vmem>>, vector<16xf32>,
    %get3A_105 = vector.shape_cast %get3A_104 : vector<16xf32> to vector<16xf32>
    %gt3A_106 = arith.cmpf ogt, %get3A_105, %select_n3A_99 : vector<16xf32>
    %gt3A_107 = arith.cmpf ogt, %get3A_105, %select_n3A_97 : vector<16xf32>
    %select_n3A_108 = arith.select %gt3A_107, %get3A_105, %select_n3A_97 : vector<16xi1>, vector<16xf32>
    %gt3A_109 = arith.cmpf ogt, %get3A_105, %select_n3A_97 : vector<16xf32>
    %jit3A_110 = arith.constant 6 : i32
    %broadcast_in_dim3A_111 = vector.broadcast %jit3A_110 : i32 to vector<16xi32>
    %select_n3A_112 = arith.select %gt3A_109, %broadcast_in_dim3A_111, %select_n3A_98 : vector<16xi1>, vector<16xi32>
    %select_n3A_113 = arith.select %gt3A_106, %select_n3A_99, %select_n3A_108 : vector<16xi1>, vector<16xf32>
    %select_n3A_114 = arith.select %gt3A_106, %select_n3A_102, %select_n3A_112 : vector<16xi1>, vector<16xi32>
    %select_n3A_115 = arith.select %gt3A_106, %get3A_105, %select_n3A_99 : vector<16xi1>, vector<16xf32>
    %jit3A_116 = arith.constant 6 : i32
    %broadcast_in_dim3A_117 = vector.broadcast %jit3A_116 : i32 to vector<16xi32>
    %select_n3A_118 = arith.select %gt3A_106, %broadcast_in_dim3A_117, %select_n3A_102 : vector<16xi1>, vector<16xi32>
    %get3A_119 = arith.constant 448 : index
    %get3A_120 = tpu.vector_load %arg4[%get3A_119] {strides = array<i32>} : memref<512xf32, #tpu.memory_space<vmem>>, vector<16xf32>,
    %get3A_121 = vector.shape_cast %get3A_120 : vector<16xf32> to vector<16xf32>
    %gt3A_122 = arith.cmpf ogt, %get3A_121, %select_n3A_115 : vector<16xf32>
    %gt3A_123 = arith.cmpf ogt, %get3A_121, %select_n3A_113 : vector<16xf32>
    %select_n3A_124 = arith.select %gt3A_123, %get3A_121, %select_n3A_113 : vector<16xi1>, vector<16xf32>
    %gt3A_125 = arith.cmpf ogt, %get3A_121, %select_n3A_113 : vector<16xf32>
    %jit3A_126 = arith.constant 7 : i32
    %broadcast_in_dim3A_127 = vector.broadcast %jit3A_126 : i32 to vector<16xi32>
    %select_n3A_128 = arith.select %gt3A_125, %broadcast_in_dim3A_127, %select_n3A_114 : vector<16xi1>, vector<16xi32>
    %select_n3A_129 = arith.select %gt3A_122, %select_n3A_115, %select_n3A_124 : vector<16xi1>, vector<16xf32>
    %select_n3A_130 = arith.select %gt3A_122, %select_n3A_118, %select_n3A_128 : vector<16xi1>, vector<16xi32>
    %select_n3A_131 = arith.select %gt3A_122, %get3A_121, %select_n3A_115 : vector<16xi1>, vector<16xf32>
    %jit3A_132 = arith.constant 7 : i32
    %broadcast_in_dim3A_133 = vector.broadcast %jit3A_132 : i32 to vector<16xi32>
    %select_n3A_134 = arith.select %gt3A_122, %broadcast_in_dim3A_133, %select_n3A_118 : vector<16xi1>, vector<16xi32>
    %sub3A = arith.subf %select_n3A_129, %select_n3A_131 : vector<16xf32>
    %exp3A = math.exp %sub3A : vector<16xf32>
    %add3A_135 = arith.constant 1.000000e+00 : f32
    %add3A_136 = vector.broadcast %add3A_135 : f32 to vector<16xf32>
    %add3A_137 = arith.addf %add3A_136, %exp3A : vector<16xf32>
    %div3A = arith.constant 1.000000e+00 : f32
    %div3A_138 = vector.broadcast %div3A : f32 to vector<16xf32>
    %div3A_139 = arith.divf %div3A_138, %add3A_137 : vector<16xf32>
    %sub3A_140 = arith.constant 1.000000e+00 : f32
    %sub3A_141 = vector.broadcast %sub3A_140 : f32 to vector<16xf32>
    %sub3A_142 = arith.subf %sub3A_141, %div3A_139 : vector<16xf32>
    %broadcast_in_dim3A_143 = arith.constant 0.000000e+00 : f32
    %broadcast_in_dim3A_144 = vector.broadcast %broadcast_in_dim3A_143 : f32 to vector<16xf32>
    %eq3A = arith.constant 0 : i32
    %eq3A_145 = vector.broadcast %eq3A : i32 to vector<16xi32>
    %eq3A_146 = arith.cmpi eq, %select_n3A_134, %eq3A_145 : vector<16xi32>
    %select_n3A_147 = arith.select %eq3A_146, %div3A_139, %broadcast_in_dim3A_144 : vector<16xi1>, vector<16xf32>
    %eq3A_148 = arith.constant 0 : i32
    %eq3A_149 = vector.broadcast %eq3A_148 : i32 to vector<16xi32>
    %eq3A_150 = arith.cmpi eq, %select_n3A_130, %eq3A_149 : vector<16xi32>
    %select_n3A_151 = arith.select %eq3A_150, %sub3A_142, %broadcast_in_dim3A_144 : vector<16xi1>, vector<16xf32>
    %add3A_152 = arith.addf %select_n3A_147, %select_n3A_151 : vector<16xf32>
    %swap3A = arith.constant 0 : index
    %swap3A_153 = tpu.vector_load %arg5[%swap3A] {strides = array<i32>} : memref<512xf32, #tpu.memory_space<vmem>>, vector<16xf32>,
    %swap3A_154 = vector.shape_cast %swap3A_153 : vector<16xf32> to vector<16xf32>
    %swap3A_155 = vector.shape_cast %add3A_152 : vector<16xf32> to vector<16xf32>
    tpu.vector_store %arg5[%swap3A], %swap3A_155 {strides = array<i32>} : memref<512xf32, #tpu.memory_space<vmem>>, vector<16xf32>,
    %eq3A_156 = arith.constant 1 : i32
    %eq3A_157 = vector.broadcast %eq3A_156 : i32 to vector<16xi32>
    %eq3A_158 = arith.cmpi eq, %select_n3A_134, %eq3A_157 : vector<16xi32>
    %select_n3A_159 = arith.select %eq3A_158, %div3A_139, %broadcast_in_dim3A_144 : vector<16xi1>, vector<16xf32>
    %eq3A_160 = arith.constant 1 : i32
    %eq3A_161 = vector.broadcast %eq3A_160 : i32 to vector<16xi32>
    %eq3A_162 = arith.cmpi eq, %select_n3A_130, %eq3A_161 : vector<16xi32>
    %select_n3A_163 = arith.select %eq3A_162, %sub3A_142, %broadcast_in_dim3A_144 : vector<16xi1>, vector<16xf32>
    %add3A_164 = arith.addf %select_n3A_159, %select_n3A_163 : vector<16xf32>
    %swap3A_165 = arith.constant 64 : index
    %swap3A_166 = tpu.vector_load %arg5[%swap3A_165] {strides = array<i32>} : memref<512xf32, #tpu.memory_space<vmem>>, vector<16xf32>,
    %swap3A_167 = vector.shape_cast %swap3A_166 : vector<16xf32> to vector<16xf32>
    %swap3A_168 = vector.shape_cast %add3A_164 : vector<16xf32> to vector<16xf32>
    tpu.vector_store %arg5[%swap3A_165], %swap3A_168 {strides = array<i32>} : memref<512xf32, #tpu.memory_space<vmem>>, vector<16xf32>,
    %eq3A_169 = arith.constant 2 : i32
    %eq3A_170 = vector.broadcast %eq3A_169 : i32 to vector<16xi32>
    %eq3A_171 = arith.cmpi eq, %select_n3A_134, %eq3A_170 : vector<16xi32>
    %select_n3A_172 = arith.select %eq3A_171, %div3A_139, %broadcast_in_dim3A_144 : vector<16xi1>, vector<16xf32>
    %eq3A_173 = arith.constant 2 : i32
    %eq3A_174 = vector.broadcast %eq3A_173 : i32 to vector<16xi32>
    %eq3A_175 = arith.cmpi eq, %select_n3A_130, %eq3A_174 : vector<16xi32>
    %select_n3A_176 = arith.select %eq3A_175, %sub3A_142, %broadcast_in_dim3A_144 : vector<16xi1>, vector<16xf32>
    %add3A_177 = arith.addf %select_n3A_172, %select_n3A_176 : vector<16xf32>
    %swap3A_178 = arith.constant 128 : index
    %swap3A_179 = tpu.vector_load %arg5[%swap3A_178] {strides = array<i32>} : memref<512xf32, #tpu.memory_space<vmem>>, vector<16xf32>,
    %swap3A_180 = vector.shape_cast %swap3A_179 : vector<16xf32> to vector<16xf32>
    %swap3A_181 = vector.shape_cast %add3A_177 : vector<16xf32> to vector<16xf32>
    tpu.vector_store %arg5[%swap3A_178], %swap3A_181 {strides = array<i32>} : memref<512xf32, #tpu.memory_space<vmem>>, vector<16xf32>,
    %eq3A_182 = arith.constant 3 : i32
    %eq3A_183 = vector.broadcast %eq3A_182 : i32 to vector<16xi32>
    %eq3A_184 = arith.cmpi eq, %select_n3A_134, %eq3A_183 : vector<16xi32>
    %select_n3A_185 = arith.select %eq3A_184, %div3A_139, %broadcast_in_dim3A_144 : vector<16xi1>, vector<16xf32>
    %eq3A_186 = arith.constant 3 : i32
    %eq3A_187 = vector.broadcast %eq3A_186 : i32 to vector<16xi32>
    %eq3A_188 = arith.cmpi eq, %select_n3A_130, %eq3A_187 : vector<16xi32>
    %select_n3A_189 = arith.select %eq3A_188, %sub3A_142, %broadcast_in_dim3A_144 : vector<16xi1>, vector<16xf32>
    %add3A_190 = arith.addf %select_n3A_185, %select_n3A_189 : vector<16xf32>
    %swap3A_191 = arith.constant 192 : index
    %swap3A_192 = tpu.vector_load %arg5[%swap3A_191] {strides = array<i32>} : memref<512xf32, #tpu.memory_space<vmem>>, vector<16xf32>,
    %swap3A_193 = vector.shape_cast %swap3A_192 : vector<16xf32> to vector<16xf32>
    %swap3A_194 = vector.shape_cast %add3A_190 : vector<16xf32> to vector<16xf32>
    tpu.vector_store %arg5[%swap3A_191], %swap3A_194 {strides = array<i32>} : memref<512xf32, #tpu.memory_space<vmem>>, vector<16xf32>,
    %eq3A_195 = arith.constant 4 : i32
    %eq3A_196 = vector.broadcast %eq3A_195 : i32 to vector<16xi32>
    %eq3A_197 = arith.cmpi eq, %select_n3A_134, %eq3A_196 : vector<16xi32>
    %select_n3A_198 = arith.select %eq3A_197, %div3A_139, %broadcast_in_dim3A_144 : vector<16xi1>, vector<16xf32>
    %eq3A_199 = arith.constant 4 : i32
    %eq3A_200 = vector.broadcast %eq3A_199 : i32 to vector<16xi32>
    %eq3A_201 = arith.cmpi eq, %select_n3A_130, %eq3A_200 : vector<16xi32>
    %select_n3A_202 = arith.select %eq3A_201, %sub3A_142, %broadcast_in_dim3A_144 : vector<16xi1>, vector<16xf32>
    %add3A_203 = arith.addf %select_n3A_198, %select_n3A_202 : vector<16xf32>
    %swap3A_204 = arith.constant 256 : index
    %swap3A_205 = tpu.vector_load %arg5[%swap3A_204] {strides = array<i32>} : memref<512xf32, #tpu.memory_space<vmem>>, vector<16xf32>,
    %swap3A_206 = vector.shape_cast %swap3A_205 : vector<16xf32> to vector<16xf32>
    %swap3A_207 = vector.shape_cast %add3A_203 : vector<16xf32> to vector<16xf32>
    tpu.vector_store %arg5[%swap3A_204], %swap3A_207 {strides = array<i32>} : memref<512xf32, #tpu.memory_space<vmem>>, vector<16xf32>,
    %eq3A_208 = arith.constant 5 : i32
    %eq3A_209 = vector.broadcast %eq3A_208 : i32 to vector<16xi32>
    %eq3A_210 = arith.cmpi eq, %select_n3A_134, %eq3A_209 : vector<16xi32>
    %select_n3A_211 = arith.select %eq3A_210, %div3A_139, %broadcast_in_dim3A_144 : vector<16xi1>, vector<16xf32>
    %eq3A_212 = arith.constant 5 : i32
    %eq3A_213 = vector.broadcast %eq3A_212 : i32 to vector<16xi32>
    %eq3A_214 = arith.cmpi eq, %select_n3A_130, %eq3A_213 : vector<16xi32>
    %select_n3A_215 = arith.select %eq3A_214, %sub3A_142, %broadcast_in_dim3A_144 : vector<16xi1>, vector<16xf32>
    %add3A_216 = arith.addf %select_n3A_211, %select_n3A_215 : vector<16xf32>
    %swap3A_217 = arith.constant 320 : index
    %swap3A_218 = tpu.vector_load %arg5[%swap3A_217] {strides = array<i32>} : memref<512xf32, #tpu.memory_space<vmem>>, vector<16xf32>,
    %swap3A_219 = vector.shape_cast %swap3A_218 : vector<16xf32> to vector<16xf32>
    %swap3A_220 = vector.shape_cast %add3A_216 : vector<16xf32> to vector<16xf32>
    tpu.vector_store %arg5[%swap3A_217], %swap3A_220 {strides = array<i32>} : memref<512xf32, #tpu.memory_space<vmem>>, vector<16xf32>,
    %eq3A_221 = arith.constant 6 : i32
    %eq3A_222 = vector.broadcast %eq3A_221 : i32 to vector<16xi32>
    %eq3A_223 = arith.cmpi eq, %select_n3A_134, %eq3A_222 : vector<16xi32>
    %select_n3A_224 = arith.select %eq3A_223, %div3A_139, %broadcast_in_dim3A_144 : vector<16xi1>, vector<16xf32>
    %eq3A_225 = arith.constant 6 : i32
    %eq3A_226 = vector.broadcast %eq3A_225 : i32 to vector<16xi32>
    %eq3A_227 = arith.cmpi eq, %select_n3A_130, %eq3A_226 : vector<16xi32>
    %select_n3A_228 = arith.select %eq3A_227, %sub3A_142, %broadcast_in_dim3A_144 : vector<16xi1>, vector<16xf32>
    %add3A_229 = arith.addf %select_n3A_224, %select_n3A_228 : vector<16xf32>
    %swap3A_230 = arith.constant 384 : index
    %swap3A_231 = tpu.vector_load %arg5[%swap3A_230] {strides = array<i32>} : memref<512xf32, #tpu.memory_space<vmem>>, vector<16xf32>,
    %swap3A_232 = vector.shape_cast %swap3A_231 : vector<16xf32> to vector<16xf32>
    %swap3A_233 = vector.shape_cast %add3A_229 : vector<16xf32> to vector<16xf32>
    tpu.vector_store %arg5[%swap3A_230], %swap3A_233 {strides = array<i32>} : memref<512xf32, #tpu.memory_space<vmem>>, vector<16xf32>,
    %eq3A_234 = arith.constant 7 : i32
    %eq3A_235 = vector.broadcast %eq3A_234 : i32 to vector<16xi32>
    %eq3A_236 = arith.cmpi eq, %select_n3A_134, %eq3A_235 : vector<16xi32>
    %select_n3A_237 = arith.select %eq3A_236, %div3A_139, %broadcast_in_dim3A_144 : vector<16xi1>, vector<16xf32>
    %eq3A_238 = arith.constant 7 : i32
    %eq3A_239 = vector.broadcast %eq3A_238 : i32 to vector<16xi32>
    %eq3A_240 = arith.cmpi eq, %select_n3A_130, %eq3A_239 : vector<16xi32>
    %select_n3A_241 = arith.select %eq3A_240, %sub3A_142, %broadcast_in_dim3A_144 : vector<16xi1>, vector<16xf32>
    %add3A_242 = arith.addf %select_n3A_237, %select_n3A_241 : vector<16xf32>
    %swap3A_243 = arith.constant 448 : index
    %swap3A_244 = tpu.vector_load %arg5[%swap3A_243] {strides = array<i32>} : memref<512xf32, #tpu.memory_space<vmem>>, vector<16xf32>,
    %swap3A_245 = vector.shape_cast %swap3A_244 : vector<16xf32> to vector<16xf32>
    %swap3A_246 = vector.shape_cast %add3A_242 : vector<16xf32> to vector<16xf32>
    tpu.vector_store %arg5[%swap3A_243], %swap3A_246 {strides = array<i32>} : memref<512xf32, #tpu.memory_space<vmem>>, vector<16xf32>,
    %get3A_247 = arith.constant 16 : index
    %get3A_248 = tpu.vector_load %arg4[%get3A_247] {strides = array<i32>} : memref<512xf32, #tpu.memory_space<vmem>>, vector<16xf32>,
    %get3A_249 = vector.shape_cast %get3A_248 : vector<16xf32> to vector<16xf32>
    %broadcast_in_dim3A_250 = arith.constant 0 : i32
    %broadcast_in_dim3A_251 = vector.broadcast %broadcast_in_dim3A_250 : i32 to vector<16xi32>
    %broadcast_in_dim3A_252 = arith.constant 0xFF800000 : f32
    %broadcast_in_dim3A_253 = vector.broadcast %broadcast_in_dim3A_252 : f32 to vector<16xf32>
    %broadcast_in_dim3A_254 = arith.constant 0 : i32
    %broadcast_in_dim3A_255 = vector.broadcast %broadcast_in_dim3A_254 : i32 to vector<16xi32>
    %get3A_256 = arith.constant 80 : index
    %get3A_257 = tpu.vector_load %arg4[%get3A_256] {strides = array<i32>} : memref<512xf32, #tpu.memory_space<vmem>>, vector<16xf32>,
    %get3A_258 = vector.shape_cast %get3A_257 : vector<16xf32> to vector<16xf32>
    %gt3A_259 = arith.cmpf ogt, %get3A_258, %get3A_249 : vector<16xf32>
    %gt3A_260 = arith.cmpf ogt, %get3A_258, %broadcast_in_dim3A_253 : vector<16xf32>
    %select_n3A_261 = arith.select %gt3A_260, %get3A_258, %broadcast_in_dim3A_253 : vector<16xi1>, vector<16xf32>
    %gt3A_262 = arith.cmpf ogt, %get3A_258, %broadcast_in_dim3A_253 : vector<16xf32>
    %jit3A_263 = arith.constant 1 : i32
    %broadcast_in_dim3A_264 = vector.broadcast %jit3A_263 : i32 to vector<16xi32>
    %select_n3A_265 = arith.select %gt3A_262, %broadcast_in_dim3A_264, %broadcast_in_dim3A_255 : vector<16xi1>, vector<16xi32>
    %select_n3A_266 = arith.select %gt3A_259, %get3A_249, %select_n3A_261 : vector<16xi1>, vector<16xf32>
    %select_n3A_267 = arith.select %gt3A_259, %broadcast_in_dim3A_251, %select_n3A_265 : vector<16xi1>, vector<16xi32>
    %select_n3A_268 = arith.select %gt3A_259, %get3A_258, %get3A_249 : vector<16xi1>, vector<16xf32>
    %jit3A_269 = arith.constant 1 : i32
    %broadcast_in_dim3A_270 = vector.broadcast %jit3A_269 : i32 to vector<16xi32>
    %select_n3A_271 = arith.select %gt3A_259, %broadcast_in_dim3A_270, %broadcast_in_dim3A_251 : vector<16xi1>, vector<16xi32>
    %get3A_272 = arith.constant 144 : index
    %get3A_273 = tpu.vector_load %arg4[%get3A_272] {strides = array<i32>} : memref<512xf32, #tpu.memory_space<vmem>>, vector<16xf32>,
    %get3A_274 = vector.shape_cast %get3A_273 : vector<16xf32> to vector<16xf32>
    %gt3A_275 = arith.cmpf ogt, %get3A_274, %select_n3A_268 : vector<16xf32>
    %gt3A_276 = arith.cmpf ogt, %get3A_274, %select_n3A_266 : vector<16xf32>
    %select_n3A_277 = arith.select %gt3A_276, %get3A_274, %select_n3A_266 : vector<16xi1>, vector<16xf32>
    %gt3A_278 = arith.cmpf ogt, %get3A_274, %select_n3A_266 : vector<16xf32>
    %jit3A_279 = arith.constant 2 : i32
    %broadcast_in_dim3A_280 = vector.broadcast %jit3A_279 : i32 to vector<16xi32>
    %select_n3A_281 = arith.select %gt3A_278, %broadcast_in_dim3A_280, %select_n3A_267 : vector<16xi1>, vector<16xi32>
    %select_n3A_282 = arith.select %gt3A_275, %select_n3A_268, %select_n3A_277 : vector<16xi1>, vector<16xf32>
    %select_n3A_283 = arith.select %gt3A_275, %select_n3A_271, %select_n3A_281 : vector<16xi1>, vector<16xi32>
    %select_n3A_284 = arith.select %gt3A_275, %get3A_274, %select_n3A_268 : vector<16xi1>, vector<16xf32>
    %jit3A_285 = arith.constant 2 : i32
    %broadcast_in_dim3A_286 = vector.broadcast %jit3A_285 : i32 to vector<16xi32>
    %select_n3A_287 = arith.select %gt3A_275, %broadcast_in_dim3A_286, %select_n3A_271 : vector<16xi1>, vector<16xi32>
    %get3A_288 = arith.constant 208 : index
    %get3A_289 = tpu.vector_load %arg4[%get3A_288] {strides = array<i32>} : memref<512xf32, #tpu.memory_space<vmem>>, vector<16xf32>,
    %get3A_290 = vector.shape_cast %get3A_289 : vector<16xf32> to vector<16xf32>
    %gt3A_291 = arith.cmpf ogt, %get3A_290, %select_n3A_284 : vector<16xf32>
    %gt3A_292 = arith.cmpf ogt, %get3A_290, %select_n3A_282 : vector<16xf32>
    %select_n3A_293 = arith.select %gt3A_292, %get3A_290, %select_n3A_282 : vector<16xi1>, vector<16xf32>
    %gt3A_294 = arith.cmpf ogt, %get3A_290, %select_n3A_282 : vector<16xf32>
    %jit3A_295 = arith.constant 3 : i32
    %broadcast_in_dim3A_296 = vector.broadcast %jit3A_295 : i32 to vector<16xi32>
    %select_n3A_297 = arith.select %gt3A_294, %broadcast_in_dim3A_296, %select_n3A_283 : vector<16xi1>, vector<16xi32>
    %select_n3A_298 = arith.select %gt3A_291, %select_n3A_284, %select_n3A_293 : vector<16xi1>, vector<16xf32>
    %select_n3A_299 = arith.select %gt3A_291, %select_n3A_287, %select_n3A_297 : vector<16xi1>, vector<16xi32>
    %select_n3A_300 = arith.select %gt3A_291, %get3A_290, %select_n3A_284 : vector<16xi1>, vector<16xf32>
    %jit3A_301 = arith.constant 3 : i32
    %broadcast_in_dim3A_302 = vector.broadcast %jit3A_301 : i32 to vector<16xi32>
    %select_n3A_303 = arith.select %gt3A_291, %broadcast_in_dim3A_302, %select_n3A_287 : vector<16xi1>, vector<16xi32>
    %get3A_304 = arith.constant 272 : index
    %get3A_305 = tpu.vector_load %arg4[%get3A_304] {strides = array<i32>} : memref<512xf32, #tpu.memory_space<vmem>>, vector<16xf32>,
    %get3A_306 = vector.shape_cast %get3A_305 : vector<16xf32> to vector<16xf32>
    %gt3A_307 = arith.cmpf ogt, %get3A_306, %select_n3A_300 : vector<16xf32>
    %gt3A_308 = arith.cmpf ogt, %get3A_306, %select_n3A_298 : vector<16xf32>
    %select_n3A_309 = arith.select %gt3A_308, %get3A_306, %select_n3A_298 : vector<16xi1>, vector<16xf32>
    %gt3A_310 = arith.cmpf ogt, %get3A_306, %select_n3A_298 : vector<16xf32>
    %jit3A_311 = arith.constant 4 : i32
    %broadcast_in_dim3A_312 = vector.broadcast %jit3A_311 : i32 to vector<16xi32>
    %select_n3A_313 = arith.select %gt3A_310, %broadcast_in_dim3A_312, %select_n3A_299 : vector<16xi1>, vector<16xi32>
    %select_n3A_314 = arith.select %gt3A_307, %select_n3A_300, %select_n3A_309 : vector<16xi1>, vector<16xf32>
    %select_n3A_315 = arith.select %gt3A_307, %select_n3A_303, %select_n3A_313 : vector<16xi1>, vector<16xi32>
    %select_n3A_316 = arith.select %gt3A_307, %get3A_306, %select_n3A_300 : vector<16xi1>, vector<16xf32>
    %jit3A_317 = arith.constant 4 : i32
    %broadcast_in_dim3A_318 = vector.broadcast %jit3A_317 : i32 to vector<16xi32>
    %select_n3A_319 = arith.select %gt3A_307, %broadcast_in_dim3A_318, %select_n3A_303 : vector<16xi1>, vector<16xi32>
    %get3A_320 = arith.constant 336 : index
    %get3A_321 = tpu.vector_load %arg4[%get3A_320] {strides = array<i32>} : memref<512xf32, #tpu.memory_space<vmem>>, vector<16xf32>,
    %get3A_322 = vector.shape_cast %get3A_321 : vector<16xf32> to vector<16xf32>
    %gt3A_323 = arith.cmpf ogt, %get3A_322, %select_n3A_316 : vector<16xf32>
    %gt3A_324 = arith.cmpf ogt, %get3A_322, %select_n3A_314 : vector<16xf32>
    %select_n3A_325 = arith.select %gt3A_324, %get3A_322, %select_n3A_314 : vector<16xi1>, vector<16xf32>
    %gt3A_326 = arith.cmpf ogt, %get3A_322, %select_n3A_314 : vector<16xf32>
    %jit3A_327 = arith.constant 5 : i32
    %broadcast_in_dim3A_328 = vector.broadcast %jit3A_327 : i32 to vector<16xi32>
    %select_n3A_329 = arith.select %gt3A_326, %broadcast_in_dim3A_328, %select_n3A_315 : vector<16xi1>, vector<16xi32>
    %select_n3A_330 = arith.select %gt3A_323, %select_n3A_316, %select_n3A_325 : vector<16xi1>, vector<16xf32>
    %select_n3A_331 = arith.select %gt3A_323, %select_n3A_319, %select_n3A_329 : vector<16xi1>, vector<16xi32>
    %select_n3A_332 = arith.select %gt3A_323, %get3A_322, %select_n3A_316 : vector<16xi1>, vector<16xf32>
    %jit3A_333 = arith.constant 5 : i32
    %broadcast_in_dim3A_334 = vector.broadcast %jit3A_333 : i32 to vector<16xi32>
    %select_n3A_335 = arith.select %gt3A_323, %broadcast_in_dim3A_334, %select_n3A_319 : vector<16xi1>, vector<16xi32>
    %get3A_336 = arith.constant 400 : index
    %get3A_337 = tpu.vector_load %arg4[%get3A_336] {strides = array<i32>} : memref<512xf32, #tpu.memory_space<vmem>>, vector<16xf32>,
    %get3A_338 = vector.shape_cast %get3A_337 : vector<16xf32> to vector<16xf32>
    %gt3A_339 = arith.cmpf ogt, %get3A_338, %select_n3A_332 : vector<16xf32>
    %gt3A_340 = arith.cmpf ogt, %get3A_338, %select_n3A_330 : vector<16xf32>
    %select_n3A_341 = arith.select %gt3A_340, %get3A_338, %select_n3A_330 : vector<16xi1>, vector<16xf32>
    %gt3A_342 = arith.cmpf ogt, %get3A_338, %select_n3A_330 : vector<16xf32>
    %jit3A_343 = arith.constant 6 : i32
    %broadcast_in_dim3A_344 = vector.broadcast %jit3A_343 : i32 to vector<16xi32>
    %select_n3A_345 = arith.select %gt3A_342, %broadcast_in_dim3A_344, %select_n3A_331 : vector<16xi1>, vector<16xi32>
    %select_n3A_346 = arith.select %gt3A_339, %select_n3A_332, %select_n3A_341 : vector<16xi1>, vector<16xf32>
    %select_n3A_347 = arith.select %gt3A_339, %select_n3A_335, %select_n3A_345 : vector<16xi1>, vector<16xi32>
    %select_n3A_348 = arith.select %gt3A_339, %get3A_338, %select_n3A_332 : vector<16xi1>, vector<16xf32>
    %jit3A_349 = arith.constant 6 : i32
    %broadcast_in_dim3A_350 = vector.broadcast %jit3A_349 : i32 to vector<16xi32>
    %select_n3A_351 = arith.select %gt3A_339, %broadcast_in_dim3A_350, %select_n3A_335 : vector<16xi1>, vector<16xi32>
    %get3A_352 = arith.constant 464 : index
    %get3A_353 = tpu.vector_load %arg4[%get3A_352] {strides = array<i32>} : memref<512xf32, #tpu.memory_space<vmem>>, vector<16xf32>,
    %get3A_354 = vector.shape_cast %get3A_353 : vector<16xf32> to vector<16xf32>
    %gt3A_355 = arith.cmpf ogt, %get3A_354, %select_n3A_348 : vector<16xf32>
    %gt3A_356 = arith.cmpf ogt, %get3A_354, %select_n3A_346 : vector<16xf32>
    %select_n3A_357 = arith.select %gt3A_356, %get3A_354, %select_n3A_346 : vector<16xi1>, vector<16xf32>
    %gt3A_358 = arith.cmpf ogt, %get3A_354, %select_n3A_346 : vector<16xf32>
    %jit3A_359 = arith.constant 7 : i32
    %broadcast_in_dim3A_360 = vector.broadcast %jit3A_359 : i32 to vector<16xi32>
    %select_n3A_361 = arith.select %gt3A_358, %broadcast_in_dim3A_360, %select_n3A_347 : vector<16xi1>, vector<16xi32>
    %select_n3A_362 = arith.select %gt3A_355, %select_n3A_348, %select_n3A_357 : vector<16xi1>, vector<16xf32>
    %select_n3A_363 = arith.select %gt3A_355, %select_n3A_351, %select_n3A_361 : vector<16xi1>, vector<16xi32>
    %select_n3A_364 = arith.select %gt3A_355, %get3A_354, %select_n3A_348 : vector<16xi1>, vector<16xf32>
    %jit3A_365 = arith.constant 7 : i32
    %broadcast_in_dim3A_366 = vector.broadcast %jit3A_365 : i32 to vector<16xi32>
    %select_n3A_367 = arith.select %gt3A_355, %broadcast_in_dim3A_366, %select_n3A_351 : vector<16xi1>, vector<16xi32>
    %sub3A_368 = arith.subf %select_n3A_362, %select_n3A_364 : vector<16xf32>
    %exp3A_369 = math.exp %sub3A_368 : vector<16xf32>
    %add3A_370 = arith.constant 1.000000e+00 : f32
    %add3A_371 = vector.broadcast %add3A_370 : f32 to vector<16xf32>
    %add3A_372 = arith.addf %add3A_371, %exp3A_369 : vector<16xf32>
    %div3A_373 = arith.constant 1.000000e+00 : f32
    %div3A_374 = vector.broadcast %div3A_373 : f32 to vector<16xf32>
    %div3A_375 = arith.divf %div3A_374, %add3A_372 : vector<16xf32>
    %sub3A_376 = arith.constant 1.000000e+00 : f32
    %sub3A_377 = vector.broadcast %sub3A_376 : f32 to vector<16xf32>
    %sub3A_378 = arith.subf %sub3A_377, %div3A_375 : vector<16xf32>
    %broadcast_in_dim3A_379 = arith.constant 0.000000e+00 : f32
    %broadcast_in_dim3A_380 = vector.broadcast %broadcast_in_dim3A_379 : f32 to vector<16xf32>
    %eq3A_381 = arith.constant 0 : i32
    %eq3A_382 = vector.broadcast %eq3A_381 : i32 to vector<16xi32>
    %eq3A_383 = arith.cmpi eq, %select_n3A_367, %eq3A_382 : vector<16xi32>
    %select_n3A_384 = arith.select %eq3A_383, %div3A_375, %broadcast_in_dim3A_380 : vector<16xi1>, vector<16xf32>
    %eq3A_385 = arith.constant 0 : i32
    %eq3A_386 = vector.broadcast %eq3A_385 : i32 to vector<16xi32>
    %eq3A_387 = arith.cmpi eq, %select_n3A_363, %eq3A_386 : vector<16xi32>
    %select_n3A_388 = arith.select %eq3A_387, %sub3A_378, %broadcast_in_dim3A_380 : vector<16xi1>, vector<16xf32>
    %add3A_389 = arith.addf %select_n3A_384, %select_n3A_388 : vector<16xf32>
    %swap3A_390 = arith.constant 16 : index
    %swap3A_391 = tpu.vector_load %arg5[%swap3A_390] {strides = array<i32>} : memref<512xf32, #tpu.memory_space<vmem>>, vector<16xf32>,
    %swap3A_392 = vector.shape_cast %swap3A_391 : vector<16xf32> to vector<16xf32>
    %swap3A_393 = vector.shape_cast %add3A_389 : vector<16xf32> to vector<16xf32>
    tpu.vector_store %arg5[%swap3A_390], %swap3A_393 {strides = array<i32>} : memref<512xf32, #tpu.memory_space<vmem>>, vector<16xf32>,
    %eq3A_394 = arith.constant 1 : i32
    %eq3A_395 = vector.broadcast %eq3A_394 : i32 to vector<16xi32>
    %eq3A_396 = arith.cmpi eq, %select_n3A_367, %eq3A_395 : vector<16xi32>
    %select_n3A_397 = arith.select %eq3A_396, %div3A_375, %broadcast_in_dim3A_380 : vector<16xi1>, vector<16xf32>
    %eq3A_398 = arith.constant 1 : i32
    %eq3A_399 = vector.broadcast %eq3A_398 : i32 to vector<16xi32>
    %eq3A_400 = arith.cmpi eq, %select_n3A_363, %eq3A_399 : vector<16xi32>
    %select_n3A_401 = arith.select %eq3A_400, %sub3A_378, %broadcast_in_dim3A_380 : vector<16xi1>, vector<16xf32>
    %add3A_402 = arith.addf %select_n3A_397, %select_n3A_401 : vector<16xf32>
    %swap3A_403 = arith.constant 80 : index
    %swap3A_404 = tpu.vector_load %arg5[%swap3A_403] {strides = array<i32>} : memref<512xf32, #tpu.memory_space<vmem>>, vector<16xf32>,
    %swap3A_405 = vector.shape_cast %swap3A_404 : vector<16xf32> to vector<16xf32>
    %swap3A_406 = vector.shape_cast %add3A_402 : vector<16xf32> to vector<16xf32>
    tpu.vector_store %arg5[%swap3A_403], %swap3A_406 {strides = array<i32>} : memref<512xf32, #tpu.memory_space<vmem>>, vector<16xf32>,
    %eq3A_407 = arith.constant 2 : i32
    %eq3A_408 = vector.broadcast %eq3A_407 : i32 to vector<16xi32>
    %eq3A_409 = arith.cmpi eq, %select_n3A_367, %eq3A_408 : vector<16xi32>
    %select_n3A_410 = arith.select %eq3A_409, %div3A_375, %broadcast_in_dim3A_380 : vector<16xi1>, vector<16xf32>
    %eq3A_411 = arith.constant 2 : i32
    %eq3A_412 = vector.broadcast %eq3A_411 : i32 to vector<16xi32>
    %eq3A_413 = arith.cmpi eq, %select_n3A_363, %eq3A_412 : vector<16xi32>
    %select_n3A_414 = arith.select %eq3A_413, %sub3A_378, %broadcast_in_dim3A_380 : vector<16xi1>, vector<16xf32>
    %add3A_415 = arith.addf %select_n3A_410, %select_n3A_414 : vector<16xf32>
    %swap3A_416 = arith.constant 144 : index
    %swap3A_417 = tpu.vector_load %arg5[%swap3A_416] {strides = array<i32>} : memref<512xf32, #tpu.memory_space<vmem>>, vector<16xf32>,
    %swap3A_418 = vector.shape_cast %swap3A_417 : vector<16xf32> to vector<16xf32>
    %swap3A_419 = vector.shape_cast %add3A_415 : vector<16xf32> to vector<16xf32>
    tpu.vector_store %arg5[%swap3A_416], %swap3A_419 {strides = array<i32>} : memref<512xf32, #tpu.memory_space<vmem>>, vector<16xf32>,
    %eq3A_420 = arith.constant 3 : i32
    %eq3A_421 = vector.broadcast %eq3A_420 : i32 to vector<16xi32>
    %eq3A_422 = arith.cmpi eq, %select_n3A_367, %eq3A_421 : vector<16xi32>
    %select_n3A_423 = arith.select %eq3A_422, %div3A_375, %broadcast_in_dim3A_380 : vector<16xi1>, vector<16xf32>
    %eq3A_424 = arith.constant 3 : i32
    %eq3A_425 = vector.broadcast %eq3A_424 : i32 to vector<16xi32>
    %eq3A_426 = arith.cmpi eq, %select_n3A_363, %eq3A_425 : vector<16xi32>
    %select_n3A_427 = arith.select %eq3A_426, %sub3A_378, %broadcast_in_dim3A_380 : vector<16xi1>, vector<16xf32>
    %add3A_428 = arith.addf %select_n3A_423, %select_n3A_427 : vector<16xf32>
    %swap3A_429 = arith.constant 208 : index
    %swap3A_430 = tpu.vector_load %arg5[%swap3A_429] {strides = array<i32>} : memref<512xf32, #tpu.memory_space<vmem>>, vector<16xf32>,
    %swap3A_431 = vector.shape_cast %swap3A_430 : vector<16xf32> to vector<16xf32>
    %swap3A_432 = vector.shape_cast %add3A_428 : vector<16xf32> to vector<16xf32>
    tpu.vector_store %arg5[%swap3A_429], %swap3A_432 {strides = array<i32>} : memref<512xf32, #tpu.memory_space<vmem>>, vector<16xf32>,
    %eq3A_433 = arith.constant 4 : i32
    %eq3A_434 = vector.broadcast %eq3A_433 : i32 to vector<16xi32>
    %eq3A_435 = arith.cmpi eq, %select_n3A_367, %eq3A_434 : vector<16xi32>
    %select_n3A_436 = arith.select %eq3A_435, %div3A_375, %broadcast_in_dim3A_380 : vector<16xi1>, vector<16xf32>
    %eq3A_437 = arith.constant 4 : i32
    %eq3A_438 = vector.broadcast %eq3A_437 : i32 to vector<16xi32>
    %eq3A_439 = arith.cmpi eq, %select_n3A_363, %eq3A_438 : vector<16xi32>
    %select_n3A_440 = arith.select %eq3A_439, %sub3A_378, %broadcast_in_dim3A_380 : vector<16xi1>, vector<16xf32>
    %add3A_441 = arith.addf %select_n3A_436, %select_n3A_440 : vector<16xf32>
    %swap3A_442 = arith.constant 272 : index
    %swap3A_443 = tpu.vector_load %arg5[%swap3A_442] {strides = array<i32>} : memref<512xf32, #tpu.memory_space<vmem>>, vector<16xf32>,
    %swap3A_444 = vector.shape_cast %swap3A_443 : vector<16xf32> to vector<16xf32>
    %swap3A_445 = vector.shape_cast %add3A_441 : vector<16xf32> to vector<16xf32>
    tpu.vector_store %arg5[%swap3A_442], %swap3A_445 {strides = array<i32>} : memref<512xf32, #tpu.memory_space<vmem>>, vector<16xf32>,
    %eq3A_446 = arith.constant 5 : i32
    %eq3A_447 = vector.broadcast %eq3A_446 : i32 to vector<16xi32>
    %eq3A_448 = arith.cmpi eq, %select_n3A_367, %eq3A_447 : vector<16xi32>
    %select_n3A_449 = arith.select %eq3A_448, %div3A_375, %broadcast_in_dim3A_380 : vector<16xi1>, vector<16xf32>
    %eq3A_450 = arith.constant 5 : i32
    %eq3A_451 = vector.broadcast %eq3A_450 : i32 to vector<16xi32>
    %eq3A_452 = arith.cmpi eq, %select_n3A_363, %eq3A_451 : vector<16xi32>
    %select_n3A_453 = arith.select %eq3A_452, %sub3A_378, %broadcast_in_dim3A_380 : vector<16xi1>, vector<16xf32>
    %add3A_454 = arith.addf %select_n3A_449, %select_n3A_453 : vector<16xf32>
    %swap3A_455 = arith.constant 336 : index
    %swap3A_456 = tpu.vector_load %arg5[%swap3A_455] {strides = array<i32>} : memref<512xf32, #tpu.memory_space<vmem>>, vector<16xf32>,
    %swap3A_457 = vector.shape_cast %swap3A_456 : vector<16xf32> to vector<16xf32>
    %swap3A_458 = vector.shape_cast %add3A_454 : vector<16xf32> to vector<16xf32>
    tpu.vector_store %arg5[%swap3A_455], %swap3A_458 {strides = array<i32>} : memref<512xf32, #tpu.memory_space<vmem>>, vector<16xf32>,
    %eq3A_459 = arith.constant 6 : i32
    %eq3A_460 = vector.broadcast %eq3A_459 : i32 to vector<16xi32>
    %eq3A_461 = arith.cmpi eq, %select_n3A_367, %eq3A_460 : vector<16xi32>
    %select_n3A_462 = arith.select %eq3A_461, %div3A_375, %broadcast_in_dim3A_380 : vector<16xi1>, vector<16xf32>
    %eq3A_463 = arith.constant 6 : i32
    %eq3A_464 = vector.broadcast %eq3A_463 : i32 to vector<16xi32>
    %eq3A_465 = arith.cmpi eq, %select_n3A_363, %eq3A_464 : vector<16xi32>
    %select_n3A_466 = arith.select %eq3A_465, %sub3A_378, %broadcast_in_dim3A_380 : vector<16xi1>, vector<16xf32>
    %add3A_467 = arith.addf %select_n3A_462, %select_n3A_466 : vector<16xf32>
    %swap3A_468 = arith.constant 400 : index
    %swap3A_469 = tpu.vector_load %arg5[%swap3A_468] {strides = array<i32>} : memref<512xf32, #tpu.memory_space<vmem>>, vector<16xf32>,
    %swap3A_470 = vector.shape_cast %swap3A_469 : vector<16xf32> to vector<16xf32>
    %swap3A_471 = vector.shape_cast %add3A_467 : vector<16xf32> to vector<16xf32>
    tpu.vector_store %arg5[%swap3A_468], %swap3A_471 {strides = array<i32>} : memref<512xf32, #tpu.memory_space<vmem>>, vector<16xf32>,
    %eq3A_472 = arith.constant 7 : i32
    %eq3A_473 = vector.broadcast %eq3A_472 : i32 to vector<16xi32>
    %eq3A_474 = arith.cmpi eq, %select_n3A_367, %eq3A_473 : vector<16xi32>
    %select_n3A_475 = arith.select %eq3A_474, %div3A_375, %broadcast_in_dim3A_380 : vector<16xi1>, vector<16xf32>
    %eq3A_476 = arith.constant 7 : i32
    %eq3A_477 = vector.broadcast %eq3A_476 : i32 to vector<16xi32>
    %eq3A_478 = arith.cmpi eq, %select_n3A_363, %eq3A_477 : vector<16xi32>
    %select_n3A_479 = arith.select %eq3A_478, %sub3A_378, %broadcast_in_dim3A_380 : vector<16xi1>, vector<16xf32>
    %add3A_480 = arith.addf %select_n3A_475, %select_n3A_479 : vector<16xf32>
    %swap3A_481 = arith.constant 464 : index
    %swap3A_482 = tpu.vector_load %arg5[%swap3A_481] {strides = array<i32>} : memref<512xf32, #tpu.memory_space<vmem>>, vector<16xf32>,
    %swap3A_483 = vector.shape_cast %swap3A_482 : vector<16xf32> to vector<16xf32>
    %swap3A_484 = vector.shape_cast %add3A_480 : vector<16xf32> to vector<16xf32>
    tpu.vector_store %arg5[%swap3A_481], %swap3A_484 {strides = array<i32>} : memref<512xf32, #tpu.memory_space<vmem>>, vector<16xf32>,
    %get3A_485 = arith.constant 32 : index
    %get3A_486 = tpu.vector_load %arg4[%get3A_485] {strides = array<i32>} : memref<512xf32, #tpu.memory_space<vmem>>, vector<16xf32>,
    %get3A_487 = vector.shape_cast %get3A_486 : vector<16xf32> to vector<16xf32>
    %broadcast_in_dim3A_488 = arith.constant 0 : i32
    %broadcast_in_dim3A_489 = vector.broadcast %broadcast_in_dim3A_488 : i32 to vector<16xi32>
    %broadcast_in_dim3A_490 = arith.constant 0xFF800000 : f32
    %broadcast_in_dim3A_491 = vector.broadcast %broadcast_in_dim3A_490 : f32 to vector<16xf32>
    %broadcast_in_dim3A_492 = arith.constant 0 : i32
    %broadcast_in_dim3A_493 = vector.broadcast %broadcast_in_dim3A_492 : i32 to vector<16xi32>
    %get3A_494 = arith.constant 96 : index
    %get3A_495 = tpu.vector_load %arg4[%get3A_494] {strides = array<i32>} : memref<512xf32, #tpu.memory_space<vmem>>, vector<16xf32>,
    %get3A_496 = vector.shape_cast %get3A_495 : vector<16xf32> to vector<16xf32>
    %gt3A_497 = arith.cmpf ogt, %get3A_496, %get3A_487 : vector<16xf32>
    %gt3A_498 = arith.cmpf ogt, %get3A_496, %broadcast_in_dim3A_491 : vector<16xf32>
    %select_n3A_499 = arith.select %gt3A_498, %get3A_496, %broadcast_in_dim3A_491 : vector<16xi1>, vector<16xf32>
    %gt3A_500 = arith.cmpf ogt, %get3A_496, %broadcast_in_dim3A_491 : vector<16xf32>
    %jit3A_501 = arith.constant 1 : i32
    %broadcast_in_dim3A_502 = vector.broadcast %jit3A_501 : i32 to vector<16xi32>
    %select_n3A_503 = arith.select %gt3A_500, %broadcast_in_dim3A_502, %broadcast_in_dim3A_493 : vector<16xi1>, vector<16xi32>
    %select_n3A_504 = arith.select %gt3A_497, %get3A_487, %select_n3A_499 : vector<16xi1>, vector<16xf32>
    %select_n3A_505 = arith.select %gt3A_497, %broadcast_in_dim3A_489, %select_n3A_503 : vector<16xi1>, vector<16xi32>
    %select_n3A_506 = arith.select %gt3A_497, %get3A_496, %get3A_487 : vector<16xi1>, vector<16xf32>
    %jit3A_507 = arith.constant 1 : i32
    %broadcast_in_dim3A_508 = vector.broadcast %jit3A_507 : i32 to vector<16xi32>
    %select_n3A_509 = arith.select %gt3A_497, %broadcast_in_dim3A_508, %broadcast_in_dim3A_489 : vector<16xi1>, vector<16xi32>
    %get3A_510 = arith.constant 160 : index
    %get3A_511 = tpu.vector_load %arg4[%get3A_510] {strides = array<i32>} : memref<512xf32, #tpu.memory_space<vmem>>, vector<16xf32>,
    %get3A_512 = vector.shape_cast %get3A_511 : vector<16xf32> to vector<16xf32>
    %gt3A_513 = arith.cmpf ogt, %get3A_512, %select_n3A_506 : vector<16xf32>
    %gt3A_514 = arith.cmpf ogt, %get3A_512, %select_n3A_504 : vector<16xf32>
    %select_n3A_515 = arith.select %gt3A_514, %get3A_512, %select_n3A_504 : vector<16xi1>, vector<16xf32>
    %gt3A_516 = arith.cmpf ogt, %get3A_512, %select_n3A_504 : vector<16xf32>
    %jit3A_517 = arith.constant 2 : i32
    %broadcast_in_dim3A_518 = vector.broadcast %jit3A_517 : i32 to vector<16xi32>
    %select_n3A_519 = arith.select %gt3A_516, %broadcast_in_dim3A_518, %select_n3A_505 : vector<16xi1>, vector<16xi32>
    %select_n3A_520 = arith.select %gt3A_513, %select_n3A_506, %select_n3A_515 : vector<16xi1>, vector<16xf32>
    %select_n3A_521 = arith.select %gt3A_513, %select_n3A_509, %select_n3A_519 : vector<16xi1>, vector<16xi32>
    %select_n3A_522 = arith.select %gt3A_513, %get3A_512, %select_n3A_506 : vector<16xi1>, vector<16xf32>
    %jit3A_523 = arith.constant 2 : i32
    %broadcast_in_dim3A_524 = vector.broadcast %jit3A_523 : i32 to vector<16xi32>
    %select_n3A_525 = arith.select %gt3A_513, %broadcast_in_dim3A_524, %select_n3A_509 : vector<16xi1>, vector<16xi32>
    %get3A_526 = arith.constant 224 : index
    %get3A_527 = tpu.vector_load %arg4[%get3A_526] {strides = array<i32>} : memref<512xf32, #tpu.memory_space<vmem>>, vector<16xf32>,
    %get3A_528 = vector.shape_cast %get3A_527 : vector<16xf32> to vector<16xf32>
    %gt3A_529 = arith.cmpf ogt, %get3A_528, %select_n3A_522 : vector<16xf32>
    %gt3A_530 = arith.cmpf ogt, %get3A_528, %select_n3A_520 : vector<16xf32>
    %select_n3A_531 = arith.select %gt3A_530, %get3A_528, %select_n3A_520 : vector<16xi1>, vector<16xf32>
    %gt3A_532 = arith.cmpf ogt, %get3A_528, %select_n3A_520 : vector<16xf32>
    %jit3A_533 = arith.constant 3 : i32
    %broadcast_in_dim3A_534 = vector.broadcast %jit3A_533 : i32 to vector<16xi32>
    %select_n3A_535 = arith.select %gt3A_532, %broadcast_in_dim3A_534, %select_n3A_521 : vector<16xi1>, vector<16xi32>
    %select_n3A_536 = arith.select %gt3A_529, %select_n3A_522, %select_n3A_531 : vector<16xi1>, vector<16xf32>
    %select_n3A_537 = arith.select %gt3A_529, %select_n3A_525, %select_n3A_535 : vector<16xi1>, vector<16xi32>
    %select_n3A_538 = arith.select %gt3A_529, %get3A_528, %select_n3A_522 : vector<16xi1>, vector<16xf32>
    %jit3A_539 = arith.constant 3 : i32
    %broadcast_in_dim3A_540 = vector.broadcast %jit3A_539 : i32 to vector<16xi32>
    %select_n3A_541 = arith.select %gt3A_529, %broadcast_in_dim3A_540, %select_n3A_525 : vector<16xi1>, vector<16xi32>
    %get3A_542 = arith.constant 288 : index
    %get3A_543 = tpu.vector_load %arg4[%get3A_542] {strides = array<i32>} : memref<512xf32, #tpu.memory_space<vmem>>, vector<16xf32>,
    %get3A_544 = vector.shape_cast %get3A_543 : vector<16xf32> to vector<16xf32>
    %gt3A_545 = arith.cmpf ogt, %get3A_544, %select_n3A_538 : vector<16xf32>
    %gt3A_546 = arith.cmpf ogt, %get3A_544, %select_n3A_536 : vector<16xf32>
    %select_n3A_547 = arith.select %gt3A_546, %get3A_544, %select_n3A_536 : vector<16xi1>, vector<16xf32>
    %gt3A_548 = arith.cmpf ogt, %get3A_544, %select_n3A_536 : vector<16xf32>
    %jit3A_549 = arith.constant 4 : i32
    %broadcast_in_dim3A_550 = vector.broadcast %jit3A_549 : i32 to vector<16xi32>
    %select_n3A_551 = arith.select %gt3A_548, %broadcast_in_dim3A_550, %select_n3A_537 : vector<16xi1>, vector<16xi32>
    %select_n3A_552 = arith.select %gt3A_545, %select_n3A_538, %select_n3A_547 : vector<16xi1>, vector<16xf32>
    %select_n3A_553 = arith.select %gt3A_545, %select_n3A_541, %select_n3A_551 : vector<16xi1>, vector<16xi32>
    %select_n3A_554 = arith.select %gt3A_545, %get3A_544, %select_n3A_538 : vector<16xi1>, vector<16xf32>
    %jit3A_555 = arith.constant 4 : i32
    %broadcast_in_dim3A_556 = vector.broadcast %jit3A_555 : i32 to vector<16xi32>
    %select_n3A_557 = arith.select %gt3A_545, %broadcast_in_dim3A_556, %select_n3A_541 : vector<16xi1>, vector<16xi32>
    %get3A_558 = arith.constant 352 : index
    %get3A_559 = tpu.vector_load %arg4[%get3A_558] {strides = array<i32>} : memref<512xf32, #tpu.memory_space<vmem>>, vector<16xf32>,
    %get3A_560 = vector.shape_cast %get3A_559 : vector<16xf32> to vector<16xf32>
    %gt3A_561 = arith.cmpf ogt, %get3A_560, %select_n3A_554 : vector<16xf32>
    %gt3A_562 = arith.cmpf ogt, %get3A_560, %select_n3A_552 : vector<16xf32>
    %select_n3A_563 = arith.select %gt3A_562, %get3A_560, %select_n3A_552 : vector<16xi1>, vector<16xf32>
    %gt3A_564 = arith.cmpf ogt, %get3A_560, %select_n3A_552 : vector<16xf32>
    %jit3A_565 = arith.constant 5 : i32
    %broadcast_in_dim3A_566 = vector.broadcast %jit3A_565 : i32 to vector<16xi32>
    %select_n3A_567 = arith.select %gt3A_564, %broadcast_in_dim3A_566, %select_n3A_553 : vector<16xi1>, vector<16xi32>
    %select_n3A_568 = arith.select %gt3A_561, %select_n3A_554, %select_n3A_563 : vector<16xi1>, vector<16xf32>
    %select_n3A_569 = arith.select %gt3A_561, %select_n3A_557, %select_n3A_567 : vector<16xi1>, vector<16xi32>
    %select_n3A_570 = arith.select %gt3A_561, %get3A_560, %select_n3A_554 : vector<16xi1>, vector<16xf32>
    %jit3A_571 = arith.constant 5 : i32
    %broadcast_in_dim3A_572 = vector.broadcast %jit3A_571 : i32 to vector<16xi32>
    %select_n3A_573 = arith.select %gt3A_561, %broadcast_in_dim3A_572, %select_n3A_557 : vector<16xi1>, vector<16xi32>
    %get3A_574 = arith.constant 416 : index
    %get3A_575 = tpu.vector_load %arg4[%get3A_574] {strides = array<i32>} : memref<512xf32, #tpu.memory_space<vmem>>, vector<16xf32>,
    %get3A_576 = vector.shape_cast %get3A_575 : vector<16xf32> to vector<16xf32>
    %gt3A_577 = arith.cmpf ogt, %get3A_576, %select_n3A_570 : vector<16xf32>
    %gt3A_578 = arith.cmpf ogt, %get3A_576, %select_n3A_568 : vector<16xf32>
    %select_n3A_579 = arith.select %gt3A_578, %get3A_576, %select_n3A_568 : vector<16xi1>, vector<16xf32>
    %gt3A_580 = arith.cmpf ogt, %get3A_576, %select_n3A_568 : vector<16xf32>
    %jit3A_581 = arith.constant 6 : i32
    %broadcast_in_dim3A_582 = vector.broadcast %jit3A_581 : i32 to vector<16xi32>
    %select_n3A_583 = arith.select %gt3A_580, %broadcast_in_dim3A_582, %select_n3A_569 : vector<16xi1>, vector<16xi32>
    %select_n3A_584 = arith.select %gt3A_577, %select_n3A_570, %select_n3A_579 : vector<16xi1>, vector<16xf32>
    %select_n3A_585 = arith.select %gt3A_577, %select_n3A_573, %select_n3A_583 : vector<16xi1>, vector<16xi32>
    %select_n3A_586 = arith.select %gt3A_577, %get3A_576, %select_n3A_570 : vector<16xi1>, vector<16xf32>
    %jit3A_587 = arith.constant 6 : i32
    %broadcast_in_dim3A_588 = vector.broadcast %jit3A_587 : i32 to vector<16xi32>
    %select_n3A_589 = arith.select %gt3A_577, %broadcast_in_dim3A_588, %select_n3A_573 : vector<16xi1>, vector<16xi32>
    %get3A_590 = arith.constant 480 : index
    %get3A_591 = tpu.vector_load %arg4[%get3A_590] {strides = array<i32>} : memref<512xf32, #tpu.memory_space<vmem>>, vector<16xf32>,
    %get3A_592 = vector.shape_cast %get3A_591 : vector<16xf32> to vector<16xf32>
    %gt3A_593 = arith.cmpf ogt, %get3A_592, %select_n3A_586 : vector<16xf32>
    %gt3A_594 = arith.cmpf ogt, %get3A_592, %select_n3A_584 : vector<16xf32>
    %select_n3A_595 = arith.select %gt3A_594, %get3A_592, %select_n3A_584 : vector<16xi1>, vector<16xf32>
    %gt3A_596 = arith.cmpf ogt, %get3A_592, %select_n3A_584 : vector<16xf32>
    %jit3A_597 = arith.constant 7 : i32
    %broadcast_in_dim3A_598 = vector.broadcast %jit3A_597 : i32 to vector<16xi32>
    %select_n3A_599 = arith.select %gt3A_596, %broadcast_in_dim3A_598, %select_n3A_585 : vector<16xi1>, vector<16xi32>
    %select_n3A_600 = arith.select %gt3A_593, %select_n3A_586, %select_n3A_595 : vector<16xi1>, vector<16xf32>
    %select_n3A_601 = arith.select %gt3A_593, %select_n3A_589, %select_n3A_599 : vector<16xi1>, vector<16xi32>
    %select_n3A_602 = arith.select %gt3A_593, %get3A_592, %select_n3A_586 : vector<16xi1>, vector<16xf32>
    %jit3A_603 = arith.constant 7 : i32
    %broadcast_in_dim3A_604 = vector.broadcast %jit3A_603 : i32 to vector<16xi32>
    %select_n3A_605 = arith.select %gt3A_593, %broadcast_in_dim3A_604, %select_n3A_589 : vector<16xi1>, vector<16xi32>
    %sub3A_606 = arith.subf %select_n3A_600, %select_n3A_602 : vector<16xf32>
    %exp3A_607 = math.exp %sub3A_606 : vector<16xf32>
    %add3A_608 = arith.constant 1.000000e+00 : f32
    %add3A_609 = vector.broadcast %add3A_608 : f32 to vector<16xf32>
    %add3A_610 = arith.addf %add3A_609, %exp3A_607 : vector<16xf32>
    %div3A_611 = arith.constant 1.000000e+00 : f32
    %div3A_612 = vector.broadcast %div3A_611 : f32 to vector<16xf32>
    %div3A_613 = arith.divf %div3A_612, %add3A_610 : vector<16xf32>
    %sub3A_614 = arith.constant 1.000000e+00 : f32
    %sub3A_615 = vector.broadcast %sub3A_614 : f32 to vector<16xf32>
    %sub3A_616 = arith.subf %sub3A_615, %div3A_613 : vector<16xf32>
    %broadcast_in_dim3A_617 = arith.constant 0.000000e+00 : f32
    %broadcast_in_dim3A_618 = vector.broadcast %broadcast_in_dim3A_617 : f32 to vector<16xf32>
    %eq3A_619 = arith.constant 0 : i32
    %eq3A_620 = vector.broadcast %eq3A_619 : i32 to vector<16xi32>
    %eq3A_621 = arith.cmpi eq, %select_n3A_605, %eq3A_620 : vector<16xi32>
    %select_n3A_622 = arith.select %eq3A_621, %div3A_613, %broadcast_in_dim3A_618 : vector<16xi1>, vector<16xf32>
    %eq3A_623 = arith.constant 0 : i32
    %eq3A_624 = vector.broadcast %eq3A_623 : i32 to vector<16xi32>
    %eq3A_625 = arith.cmpi eq, %select_n3A_601, %eq3A_624 : vector<16xi32>
    %select_n3A_626 = arith.select %eq3A_625, %sub3A_616, %broadcast_in_dim3A_618 : vector<16xi1>, vector<16xf32>
    %add3A_627 = arith.addf %select_n3A_622, %select_n3A_626 : vector<16xf32>
    %swap3A_628 = arith.constant 32 : index
    %swap3A_629 = tpu.vector_load %arg5[%swap3A_628] {strides = array<i32>} : memref<512xf32, #tpu.memory_space<vmem>>, vector<16xf32>,
    %swap3A_630 = vector.shape_cast %swap3A_629 : vector<16xf32> to vector<16xf32>
    %swap3A_631 = vector.shape_cast %add3A_627 : vector<16xf32> to vector<16xf32>
    tpu.vector_store %arg5[%swap3A_628], %swap3A_631 {strides = array<i32>} : memref<512xf32, #tpu.memory_space<vmem>>, vector<16xf32>,
    %eq3A_632 = arith.constant 1 : i32
    %eq3A_633 = vector.broadcast %eq3A_632 : i32 to vector<16xi32>
    %eq3A_634 = arith.cmpi eq, %select_n3A_605, %eq3A_633 : vector<16xi32>
    %select_n3A_635 = arith.select %eq3A_634, %div3A_613, %broadcast_in_dim3A_618 : vector<16xi1>, vector<16xf32>
    %eq3A_636 = arith.constant 1 : i32
    %eq3A_637 = vector.broadcast %eq3A_636 : i32 to vector<16xi32>
    %eq3A_638 = arith.cmpi eq, %select_n3A_601, %eq3A_637 : vector<16xi32>
    %select_n3A_639 = arith.select %eq3A_638, %sub3A_616, %broadcast_in_dim3A_618 : vector<16xi1>, vector<16xf32>
    %add3A_640 = arith.addf %select_n3A_635, %select_n3A_639 : vector<16xf32>
    %swap3A_641 = arith.constant 96 : index
    %swap3A_642 = tpu.vector_load %arg5[%swap3A_641] {strides = array<i32>} : memref<512xf32, #tpu.memory_space<vmem>>, vector<16xf32>,
    %swap3A_643 = vector.shape_cast %swap3A_642 : vector<16xf32> to vector<16xf32>
    %swap3A_644 = vector.shape_cast %add3A_640 : vector<16xf32> to vector<16xf32>
    tpu.vector_store %arg5[%swap3A_641], %swap3A_644 {strides = array<i32>} : memref<512xf32, #tpu.memory_space<vmem>>, vector<16xf32>,
    %eq3A_645 = arith.constant 2 : i32
    %eq3A_646 = vector.broadcast %eq3A_645 : i32 to vector<16xi32>
    %eq3A_647 = arith.cmpi eq, %select_n3A_605, %eq3A_646 : vector<16xi32>
    %select_n3A_648 = arith.select %eq3A_647, %div3A_613, %broadcast_in_dim3A_618 : vector<16xi1>, vector<16xf32>
    %eq3A_649 = arith.constant 2 : i32
    %eq3A_650 = vector.broadcast %eq3A_649 : i32 to vector<16xi32>
    %eq3A_651 = arith.cmpi eq, %select_n3A_601, %eq3A_650 : vector<16xi32>
    %select_n3A_652 = arith.select %eq3A_651, %sub3A_616, %broadcast_in_dim3A_618 : vector<16xi1>, vector<16xf32>
    %add3A_653 = arith.addf %select_n3A_648, %select_n3A_652 : vector<16xf32>
    %swap3A_654 = arith.constant 160 : index
    %swap3A_655 = tpu.vector_load %arg5[%swap3A_654] {strides = array<i32>} : memref<512xf32, #tpu.memory_space<vmem>>, vector<16xf32>,
    %swap3A_656 = vector.shape_cast %swap3A_655 : vector<16xf32> to vector<16xf32>
    %swap3A_657 = vector.shape_cast %add3A_653 : vector<16xf32> to vector<16xf32>
    tpu.vector_store %arg5[%swap3A_654], %swap3A_657 {strides = array<i32>} : memref<512xf32, #tpu.memory_space<vmem>>, vector<16xf32>,
    %eq3A_658 = arith.constant 3 : i32
    %eq3A_659 = vector.broadcast %eq3A_658 : i32 to vector<16xi32>
    %eq3A_660 = arith.cmpi eq, %select_n3A_605, %eq3A_659 : vector<16xi32>
    %select_n3A_661 = arith.select %eq3A_660, %div3A_613, %broadcast_in_dim3A_618 : vector<16xi1>, vector<16xf32>
    %eq3A_662 = arith.constant 3 : i32
    %eq3A_663 = vector.broadcast %eq3A_662 : i32 to vector<16xi32>
    %eq3A_664 = arith.cmpi eq, %select_n3A_601, %eq3A_663 : vector<16xi32>
    %select_n3A_665 = arith.select %eq3A_664, %sub3A_616, %broadcast_in_dim3A_618 : vector<16xi1>, vector<16xf32>
    %add3A_666 = arith.addf %select_n3A_661, %select_n3A_665 : vector<16xf32>
    %swap3A_667 = arith.constant 224 : index
    %swap3A_668 = tpu.vector_load %arg5[%swap3A_667] {strides = array<i32>} : memref<512xf32, #tpu.memory_space<vmem>>, vector<16xf32>,
    %swap3A_669 = vector.shape_cast %swap3A_668 : vector<16xf32> to vector<16xf32>
    %swap3A_670 = vector.shape_cast %add3A_666 : vector<16xf32> to vector<16xf32>
    tpu.vector_store %arg5[%swap3A_667], %swap3A_670 {strides = array<i32>} : memref<512xf32, #tpu.memory_space<vmem>>, vector<16xf32>,
    %eq3A_671 = arith.constant 4 : i32
    %eq3A_672 = vector.broadcast %eq3A_671 : i32 to vector<16xi32>
    %eq3A_673 = arith.cmpi eq, %select_n3A_605, %eq3A_672 : vector<16xi32>
    %select_n3A_674 = arith.select %eq3A_673, %div3A_613, %broadcast_in_dim3A_618 : vector<16xi1>, vector<16xf32>
    %eq3A_675 = arith.constant 4 : i32
    %eq3A_676 = vector.broadcast %eq3A_675 : i32 to vector<16xi32>
    %eq3A_677 = arith.cmpi eq, %select_n3A_601, %eq3A_676 : vector<16xi32>
    %select_n3A_678 = arith.select %eq3A_677, %sub3A_616, %broadcast_in_dim3A_618 : vector<16xi1>, vector<16xf32>
    %add3A_679 = arith.addf %select_n3A_674, %select_n3A_678 : vector<16xf32>
    %swap3A_680 = arith.constant 288 : index
    %swap3A_681 = tpu.vector_load %arg5[%swap3A_680] {strides = array<i32>} : memref<512xf32, #tpu.memory_space<vmem>>, vector<16xf32>,
    %swap3A_682 = vector.shape_cast %swap3A_681 : vector<16xf32> to vector<16xf32>
    %swap3A_683 = vector.shape_cast %add3A_679 : vector<16xf32> to vector<16xf32>
    tpu.vector_store %arg5[%swap3A_680], %swap3A_683 {strides = array<i32>} : memref<512xf32, #tpu.memory_space<vmem>>, vector<16xf32>,
    %eq3A_684 = arith.constant 5 : i32
    %eq3A_685 = vector.broadcast %eq3A_684 : i32 to vector<16xi32>
    %eq3A_686 = arith.cmpi eq, %select_n3A_605, %eq3A_685 : vector<16xi32>
    %select_n3A_687 = arith.select %eq3A_686, %div3A_613, %broadcast_in_dim3A_618 : vector<16xi1>, vector<16xf32>
    %eq3A_688 = arith.constant 5 : i32
    %eq3A_689 = vector.broadcast %eq3A_688 : i32 to vector<16xi32>
    %eq3A_690 = arith.cmpi eq, %select_n3A_601, %eq3A_689 : vector<16xi32>
    %select_n3A_691 = arith.select %eq3A_690, %sub3A_616, %broadcast_in_dim3A_618 : vector<16xi1>, vector<16xf32>
    %add3A_692 = arith.addf %select_n3A_687, %select_n3A_691 : vector<16xf32>
    %swap3A_693 = arith.constant 352 : index
    %swap3A_694 = tpu.vector_load %arg5[%swap3A_693] {strides = array<i32>} : memref<512xf32, #tpu.memory_space<vmem>>, vector<16xf32>,
    %swap3A_695 = vector.shape_cast %swap3A_694 : vector<16xf32> to vector<16xf32>
    %swap3A_696 = vector.shape_cast %add3A_692 : vector<16xf32> to vector<16xf32>
    tpu.vector_store %arg5[%swap3A_693], %swap3A_696 {strides = array<i32>} : memref<512xf32, #tpu.memory_space<vmem>>, vector<16xf32>,
    %eq3A_697 = arith.constant 6 : i32
    %eq3A_698 = vector.broadcast %eq3A_697 : i32 to vector<16xi32>
    %eq3A_699 = arith.cmpi eq, %select_n3A_605, %eq3A_698 : vector<16xi32>
    %select_n3A_700 = arith.select %eq3A_699, %div3A_613, %broadcast_in_dim3A_618 : vector<16xi1>, vector<16xf32>
    %eq3A_701 = arith.constant 6 : i32
    %eq3A_702 = vector.broadcast %eq3A_701 : i32 to vector<16xi32>
    %eq3A_703 = arith.cmpi eq, %select_n3A_601, %eq3A_702 : vector<16xi32>
    %select_n3A_704 = arith.select %eq3A_703, %sub3A_616, %broadcast_in_dim3A_618 : vector<16xi1>, vector<16xf32>
    %add3A_705 = arith.addf %select_n3A_700, %select_n3A_704 : vector<16xf32>
    %swap3A_706 = arith.constant 416 : index
    %swap3A_707 = tpu.vector_load %arg5[%swap3A_706] {strides = array<i32>} : memref<512xf32, #tpu.memory_space<vmem>>, vector<16xf32>,
    %swap3A_708 = vector.shape_cast %swap3A_707 : vector<16xf32> to vector<16xf32>
    %swap3A_709 = vector.shape_cast %add3A_705 : vector<16xf32> to vector<16xf32>
    tpu.vector_store %arg5[%swap3A_706], %swap3A_709 {strides = array<i32>} : memref<512xf32, #tpu.memory_space<vmem>>, vector<16xf32>,
    %eq3A_710 = arith.constant 7 : i32
    %eq3A_711 = vector.broadcast %eq3A_710 : i32 to vector<16xi32>
    %eq3A_712 = arith.cmpi eq, %select_n3A_605, %eq3A_711 : vector<16xi32>
    %select_n3A_713 = arith.select %eq3A_712, %div3A_613, %broadcast_in_dim3A_618 : vector<16xi1>, vector<16xf32>
    %eq3A_714 = arith.constant 7 : i32
    %eq3A_715 = vector.broadcast %eq3A_714 : i32 to vector<16xi32>
    %eq3A_716 = arith.cmpi eq, %select_n3A_601, %eq3A_715 : vector<16xi32>
    %select_n3A_717 = arith.select %eq3A_716, %sub3A_616, %broadcast_in_dim3A_618 : vector<16xi1>, vector<16xf32>
    %add3A_718 = arith.addf %select_n3A_713, %select_n3A_717 : vector<16xf32>
    %swap3A_719 = arith.constant 480 : index
    %swap3A_720 = tpu.vector_load %arg5[%swap3A_719] {strides = array<i32>} : memref<512xf32, #tpu.memory_space<vmem>>, vector<16xf32>,
    %swap3A_721 = vector.shape_cast %swap3A_720 : vector<16xf32> to vector<16xf32>
    %swap3A_722 = vector.shape_cast %add3A_718 : vector<16xf32> to vector<16xf32>
    tpu.vector_store %arg5[%swap3A_719], %swap3A_722 {strides = array<i32>} : memref<512xf32, #tpu.memory_space<vmem>>, vector<16xf32>,
    %get3A_723 = arith.constant 48 : index
    %get3A_724 = tpu.vector_load %arg4[%get3A_723] {strides = array<i32>} : memref<512xf32, #tpu.memory_space<vmem>>, vector<16xf32>,
    %get3A_725 = vector.shape_cast %get3A_724 : vector<16xf32> to vector<16xf32>
    %broadcast_in_dim3A_726 = arith.constant 0 : i32
    %broadcast_in_dim3A_727 = vector.broadcast %broadcast_in_dim3A_726 : i32 to vector<16xi32>
    %broadcast_in_dim3A_728 = arith.constant 0xFF800000 : f32
    %broadcast_in_dim3A_729 = vector.broadcast %broadcast_in_dim3A_728 : f32 to vector<16xf32>
    %broadcast_in_dim3A_730 = arith.constant 0 : i32
    %broadcast_in_dim3A_731 = vector.broadcast %broadcast_in_dim3A_730 : i32 to vector<16xi32>
    %get3A_732 = arith.constant 112 : index
    %get3A_733 = tpu.vector_load %arg4[%get3A_732] {strides = array<i32>} : memref<512xf32, #tpu.memory_space<vmem>>, vector<16xf32>,
    %get3A_734 = vector.shape_cast %get3A_733 : vector<16xf32> to vector<16xf32>
    %gt3A_735 = arith.cmpf ogt, %get3A_734, %get3A_725 : vector<16xf32>
    %gt3A_736 = arith.cmpf ogt, %get3A_734, %broadcast_in_dim3A_729 : vector<16xf32>
    %select_n3A_737 = arith.select %gt3A_736, %get3A_734, %broadcast_in_dim3A_729 : vector<16xi1>, vector<16xf32>
    %gt3A_738 = arith.cmpf ogt, %get3A_734, %broadcast_in_dim3A_729 : vector<16xf32>
    %jit3A_739 = arith.constant 1 : i32
    %broadcast_in_dim3A_740 = vector.broadcast %jit3A_739 : i32 to vector<16xi32>
    %select_n3A_741 = arith.select %gt3A_738, %broadcast_in_dim3A_740, %broadcast_in_dim3A_731 : vector<16xi1>, vector<16xi32>
    %select_n3A_742 = arith.select %gt3A_735, %get3A_725, %select_n3A_737 : vector<16xi1>, vector<16xf32>
    %select_n3A_743 = arith.select %gt3A_735, %broadcast_in_dim3A_727, %select_n3A_741 : vector<16xi1>, vector<16xi32>
    %select_n3A_744 = arith.select %gt3A_735, %get3A_734, %get3A_725 : vector<16xi1>, vector<16xf32>
    %jit3A_745 = arith.constant 1 : i32
    %broadcast_in_dim3A_746 = vector.broadcast %jit3A_745 : i32 to vector<16xi32>
    %select_n3A_747 = arith.select %gt3A_735, %broadcast_in_dim3A_746, %broadcast_in_dim3A_727 : vector<16xi1>, vector<16xi32>
    %get3A_748 = arith.constant 176 : index
    %get3A_749 = tpu.vector_load %arg4[%get3A_748] {strides = array<i32>} : memref<512xf32, #tpu.memory_space<vmem>>, vector<16xf32>,
    %get3A_750 = vector.shape_cast %get3A_749 : vector<16xf32> to vector<16xf32>
    %gt3A_751 = arith.cmpf ogt, %get3A_750, %select_n3A_744 : vector<16xf32>
    %gt3A_752 = arith.cmpf ogt, %get3A_750, %select_n3A_742 : vector<16xf32>
    %select_n3A_753 = arith.select %gt3A_752, %get3A_750, %select_n3A_742 : vector<16xi1>, vector<16xf32>
    %gt3A_754 = arith.cmpf ogt, %get3A_750, %select_n3A_742 : vector<16xf32>
    %jit3A_755 = arith.constant 2 : i32
    %broadcast_in_dim3A_756 = vector.broadcast %jit3A_755 : i32 to vector<16xi32>
    %select_n3A_757 = arith.select %gt3A_754, %broadcast_in_dim3A_756, %select_n3A_743 : vector<16xi1>, vector<16xi32>
    %select_n3A_758 = arith.select %gt3A_751, %select_n3A_744, %select_n3A_753 : vector<16xi1>, vector<16xf32>
    %select_n3A_759 = arith.select %gt3A_751, %select_n3A_747, %select_n3A_757 : vector<16xi1>, vector<16xi32>
    %select_n3A_760 = arith.select %gt3A_751, %get3A_750, %select_n3A_744 : vector<16xi1>, vector<16xf32>
    %jit3A_761 = arith.constant 2 : i32
    %broadcast_in_dim3A_762 = vector.broadcast %jit3A_761 : i32 to vector<16xi32>
    %select_n3A_763 = arith.select %gt3A_751, %broadcast_in_dim3A_762, %select_n3A_747 : vector<16xi1>, vector<16xi32>
    %get3A_764 = arith.constant 240 : index
    %get3A_765 = tpu.vector_load %arg4[%get3A_764] {strides = array<i32>} : memref<512xf32, #tpu.memory_space<vmem>>, vector<16xf32>,
    %get3A_766 = vector.shape_cast %get3A_765 : vector<16xf32> to vector<16xf32>
    %gt3A_767 = arith.cmpf ogt, %get3A_766, %select_n3A_760 : vector<16xf32>
    %gt3A_768 = arith.cmpf ogt, %get3A_766, %select_n3A_758 : vector<16xf32>
    %select_n3A_769 = arith.select %gt3A_768, %get3A_766, %select_n3A_758 : vector<16xi1>, vector<16xf32>
    %gt3A_770 = arith.cmpf ogt, %get3A_766, %select_n3A_758 : vector<16xf32>
    %jit3A_771 = arith.constant 3 : i32
    %broadcast_in_dim3A_772 = vector.broadcast %jit3A_771 : i32 to vector<16xi32>
    %select_n3A_773 = arith.select %gt3A_770, %broadcast_in_dim3A_772, %select_n3A_759 : vector<16xi1>, vector<16xi32>
    %select_n3A_774 = arith.select %gt3A_767, %select_n3A_760, %select_n3A_769 : vector<16xi1>, vector<16xf32>
    %select_n3A_775 = arith.select %gt3A_767, %select_n3A_763, %select_n3A_773 : vector<16xi1>, vector<16xi32>
    %select_n3A_776 = arith.select %gt3A_767, %get3A_766, %select_n3A_760 : vector<16xi1>, vector<16xf32>
    %jit3A_777 = arith.constant 3 : i32
    %broadcast_in_dim3A_778 = vector.broadcast %jit3A_777 : i32 to vector<16xi32>
    %select_n3A_779 = arith.select %gt3A_767, %broadcast_in_dim3A_778, %select_n3A_763 : vector<16xi1>, vector<16xi32>
    %get3A_780 = arith.constant 304 : index
    %get3A_781 = tpu.vector_load %arg4[%get3A_780] {strides = array<i32>} : memref<512xf32, #tpu.memory_space<vmem>>, vector<16xf32>,
    %get3A_782 = vector.shape_cast %get3A_781 : vector<16xf32> to vector<16xf32>
    %gt3A_783 = arith.cmpf ogt, %get3A_782, %select_n3A_776 : vector<16xf32>
    %gt3A_784 = arith.cmpf ogt, %get3A_782, %select_n3A_774 : vector<16xf32>
    %select_n3A_785 = arith.select %gt3A_784, %get3A_782, %select_n3A_774 : vector<16xi1>, vector<16xf32>
    %gt3A_786 = arith.cmpf ogt, %get3A_782, %select_n3A_774 : vector<16xf32>
    %jit3A_787 = arith.constant 4 : i32
    %broadcast_in_dim3A_788 = vector.broadcast %jit3A_787 : i32 to vector<16xi32>
    %select_n3A_789 = arith.select %gt3A_786, %broadcast_in_dim3A_788, %select_n3A_775 : vector<16xi1>, vector<16xi32>
    %select_n3A_790 = arith.select %gt3A_783, %select_n3A_776, %select_n3A_785 : vector<16xi1>, vector<16xf32>
    %select_n3A_791 = arith.select %gt3A_783, %select_n3A_779, %select_n3A_789 : vector<16xi1>, vector<16xi32>
    %select_n3A_792 = arith.select %gt3A_783, %get3A_782, %select_n3A_776 : vector<16xi1>, vector<16xf32>
    %jit3A_793 = arith.constant 4 : i32
    %broadcast_in_dim3A_794 = vector.broadcast %jit3A_793 : i32 to vector<16xi32>
    %select_n3A_795 = arith.select %gt3A_783, %broadcast_in_dim3A_794, %select_n3A_779 : vector<16xi1>, vector<16xi32>
    %get3A_796 = arith.constant 368 : index
    %get3A_797 = tpu.vector_load %arg4[%get3A_796] {strides = array<i32>} : memref<512xf32, #tpu.memory_space<vmem>>, vector<16xf32>,
    %get3A_798 = vector.shape_cast %get3A_797 : vector<16xf32> to vector<16xf32>
    %gt3A_799 = arith.cmpf ogt, %get3A_798, %select_n3A_792 : vector<16xf32>
    %gt3A_800 = arith.cmpf ogt, %get3A_798, %select_n3A_790 : vector<16xf32>
    %select_n3A_801 = arith.select %gt3A_800, %get3A_798, %select_n3A_790 : vector<16xi1>, vector<16xf32>
    %gt3A_802 = arith.cmpf ogt, %get3A_798, %select_n3A_790 : vector<16xf32>
    %jit3A_803 = arith.constant 5 : i32
    %broadcast_in_dim3A_804 = vector.broadcast %jit3A_803 : i32 to vector<16xi32>
    %select_n3A_805 = arith.select %gt3A_802, %broadcast_in_dim3A_804, %select_n3A_791 : vector<16xi1>, vector<16xi32>
    %select_n3A_806 = arith.select %gt3A_799, %select_n3A_792, %select_n3A_801 : vector<16xi1>, vector<16xf32>
    %select_n3A_807 = arith.select %gt3A_799, %select_n3A_795, %select_n3A_805 : vector<16xi1>, vector<16xi32>
    %select_n3A_808 = arith.select %gt3A_799, %get3A_798, %select_n3A_792 : vector<16xi1>, vector<16xf32>
    %jit3A_809 = arith.constant 5 : i32
    %broadcast_in_dim3A_810 = vector.broadcast %jit3A_809 : i32 to vector<16xi32>
    %select_n3A_811 = arith.select %gt3A_799, %broadcast_in_dim3A_810, %select_n3A_795 : vector<16xi1>, vector<16xi32>
    %get3A_812 = arith.constant 432 : index
    %get3A_813 = tpu.vector_load %arg4[%get3A_812] {strides = array<i32>} : memref<512xf32, #tpu.memory_space<vmem>>, vector<16xf32>,
    %get3A_814 = vector.shape_cast %get3A_813 : vector<16xf32> to vector<16xf32>
    %gt3A_815 = arith.cmpf ogt, %get3A_814, %select_n3A_808 : vector<16xf32>
    %gt3A_816 = arith.cmpf ogt, %get3A_814, %select_n3A_806 : vector<16xf32>
    %select_n3A_817 = arith.select %gt3A_816, %get3A_814, %select_n3A_806 : vector<16xi1>, vector<16xf32>
    %gt3A_818 = arith.cmpf ogt, %get3A_814, %select_n3A_806 : vector<16xf32>
    %jit3A_819 = arith.constant 6 : i32
    %broadcast_in_dim3A_820 = vector.broadcast %jit3A_819 : i32 to vector<16xi32>
    %select_n3A_821 = arith.select %gt3A_818, %broadcast_in_dim3A_820, %select_n3A_807 : vector<16xi1>, vector<16xi32>
    %select_n3A_822 = arith.select %gt3A_815, %select_n3A_808, %select_n3A_817 : vector<16xi1>, vector<16xf32>
    %select_n3A_823 = arith.select %gt3A_815, %select_n3A_811, %select_n3A_821 : vector<16xi1>, vector<16xi32>
    %select_n3A_824 = arith.select %gt3A_815, %get3A_814, %select_n3A_808 : vector<16xi1>, vector<16xf32>
    %jit3A_825 = arith.constant 6 : i32
    %broadcast_in_dim3A_826 = vector.broadcast %jit3A_825 : i32 to vector<16xi32>
    %select_n3A_827 = arith.select %gt3A_815, %broadcast_in_dim3A_826, %select_n3A_811 : vector<16xi1>, vector<16xi32>
    %get3A_828 = arith.constant 496 : index
    %get3A_829 = tpu.vector_load %arg4[%get3A_828] {strides = array<i32>} : memref<512xf32, #tpu.memory_space<vmem>>, vector<16xf32>,
    %get3A_830 = vector.shape_cast %get3A_829 : vector<16xf32> to vector<16xf32>
    %gt3A_831 = arith.cmpf ogt, %get3A_830, %select_n3A_824 : vector<16xf32>
    %gt3A_832 = arith.cmpf ogt, %get3A_830, %select_n3A_822 : vector<16xf32>
    %select_n3A_833 = arith.select %gt3A_832, %get3A_830, %select_n3A_822 : vector<16xi1>, vector<16xf32>
    %gt3A_834 = arith.cmpf ogt, %get3A_830, %select_n3A_822 : vector<16xf32>
    %jit3A_835 = arith.constant 7 : i32
    %broadcast_in_dim3A_836 = vector.broadcast %jit3A_835 : i32 to vector<16xi32>
    %select_n3A_837 = arith.select %gt3A_834, %broadcast_in_dim3A_836, %select_n3A_823 : vector<16xi1>, vector<16xi32>
    %select_n3A_838 = arith.select %gt3A_831, %select_n3A_824, %select_n3A_833 : vector<16xi1>, vector<16xf32>
    %select_n3A_839 = arith.select %gt3A_831, %select_n3A_827, %select_n3A_837 : vector<16xi1>, vector<16xi32>
    %select_n3A_840 = arith.select %gt3A_831, %get3A_830, %select_n3A_824 : vector<16xi1>, vector<16xf32>
    %jit3A_841 = arith.constant 7 : i32
    %broadcast_in_dim3A_842 = vector.broadcast %jit3A_841 : i32 to vector<16xi32>
    %select_n3A_843 = arith.select %gt3A_831, %broadcast_in_dim3A_842, %select_n3A_827 : vector<16xi1>, vector<16xi32>
    %sub3A_844 = arith.subf %select_n3A_838, %select_n3A_840 : vector<16xf32>
    %exp3A_845 = math.exp %sub3A_844 : vector<16xf32>
    %add3A_846 = arith.constant 1.000000e+00 : f32
    %add3A_847 = vector.broadcast %add3A_846 : f32 to vector<16xf32>
    %add3A_848 = arith.addf %add3A_847, %exp3A_845 : vector<16xf32>
    %div3A_849 = arith.constant 1.000000e+00 : f32
    %div3A_850 = vector.broadcast %div3A_849 : f32 to vector<16xf32>
    %div3A_851 = arith.divf %div3A_850, %add3A_848 : vector<16xf32>
    %sub3A_852 = arith.constant 1.000000e+00 : f32
    %sub3A_853 = vector.broadcast %sub3A_852 : f32 to vector<16xf32>
    %sub3A_854 = arith.subf %sub3A_853, %div3A_851 : vector<16xf32>
    %broadcast_in_dim3A_855 = arith.constant 0.000000e+00 : f32
    %broadcast_in_dim3A_856 = vector.broadcast %broadcast_in_dim3A_855 : f32 to vector<16xf32>
    %eq3A_857 = arith.constant 0 : i32
    %eq3A_858 = vector.broadcast %eq3A_857 : i32 to vector<16xi32>
    %eq3A_859 = arith.cmpi eq, %select_n3A_843, %eq3A_858 : vector<16xi32>
    %select_n3A_860 = arith.select %eq3A_859, %div3A_851, %broadcast_in_dim3A_856 : vector<16xi1>, vector<16xf32>
    %eq3A_861 = arith.constant 0 : i32
    %eq3A_862 = vector.broadcast %eq3A_861 : i32 to vector<16xi32>
    %eq3A_863 = arith.cmpi eq, %select_n3A_839, %eq3A_862 : vector<16xi32>
    %select_n3A_864 = arith.select %eq3A_863, %sub3A_854, %broadcast_in_dim3A_856 : vector<16xi1>, vector<16xf32>
    %add3A_865 = arith.addf %select_n3A_860, %select_n3A_864 : vector<16xf32>
    %swap3A_866 = arith.constant 48 : index
    %swap3A_867 = tpu.vector_load %arg5[%swap3A_866] {strides = array<i32>} : memref<512xf32, #tpu.memory_space<vmem>>, vector<16xf32>,
    %swap3A_868 = vector.shape_cast %swap3A_867 : vector<16xf32> to vector<16xf32>
    %swap3A_869 = vector.shape_cast %add3A_865 : vector<16xf32> to vector<16xf32>
    tpu.vector_store %arg5[%swap3A_866], %swap3A_869 {strides = array<i32>} : memref<512xf32, #tpu.memory_space<vmem>>, vector<16xf32>,
    %eq3A_870 = arith.constant 1 : i32
    %eq3A_871 = vector.broadcast %eq3A_870 : i32 to vector<16xi32>
    %eq3A_872 = arith.cmpi eq, %select_n3A_843, %eq3A_871 : vector<16xi32>
    %select_n3A_873 = arith.select %eq3A_872, %div3A_851, %broadcast_in_dim3A_856 : vector<16xi1>, vector<16xf32>
    %eq3A_874 = arith.constant 1 : i32
    %eq3A_875 = vector.broadcast %eq3A_874 : i32 to vector<16xi32>
    %eq3A_876 = arith.cmpi eq, %select_n3A_839, %eq3A_875 : vector<16xi32>
    %select_n3A_877 = arith.select %eq3A_876, %sub3A_854, %broadcast_in_dim3A_856 : vector<16xi1>, vector<16xf32>
    %add3A_878 = arith.addf %select_n3A_873, %select_n3A_877 : vector<16xf32>
    %swap3A_879 = arith.constant 112 : index
    %swap3A_880 = tpu.vector_load %arg5[%swap3A_879] {strides = array<i32>} : memref<512xf32, #tpu.memory_space<vmem>>, vector<16xf32>,
    %swap3A_881 = vector.shape_cast %swap3A_880 : vector<16xf32> to vector<16xf32>
    %swap3A_882 = vector.shape_cast %add3A_878 : vector<16xf32> to vector<16xf32>
    tpu.vector_store %arg5[%swap3A_879], %swap3A_882 {strides = array<i32>} : memref<512xf32, #tpu.memory_space<vmem>>, vector<16xf32>,
    %eq3A_883 = arith.constant 2 : i32
    %eq3A_884 = vector.broadcast %eq3A_883 : i32 to vector<16xi32>
    %eq3A_885 = arith.cmpi eq, %select_n3A_843, %eq3A_884 : vector<16xi32>
    %select_n3A_886 = arith.select %eq3A_885, %div3A_851, %broadcast_in_dim3A_856 : vector<16xi1>, vector<16xf32>
    %eq3A_887 = arith.constant 2 : i32
    %eq3A_888 = vector.broadcast %eq3A_887 : i32 to vector<16xi32>
    %eq3A_889 = arith.cmpi eq, %select_n3A_839, %eq3A_888 : vector<16xi32>
    %select_n3A_890 = arith.select %eq3A_889, %sub3A_854, %broadcast_in_dim3A_856 : vector<16xi1>, vector<16xf32>
    %add3A_891 = arith.addf %select_n3A_886, %select_n3A_890 : vector<16xf32>
    %swap3A_892 = arith.constant 176 : index
    %swap3A_893 = tpu.vector_load %arg5[%swap3A_892] {strides = array<i32>} : memref<512xf32, #tpu.memory_space<vmem>>, vector<16xf32>,
    %swap3A_894 = vector.shape_cast %swap3A_893 : vector<16xf32> to vector<16xf32>
    %swap3A_895 = vector.shape_cast %add3A_891 : vector<16xf32> to vector<16xf32>
    tpu.vector_store %arg5[%swap3A_892], %swap3A_895 {strides = array<i32>} : memref<512xf32, #tpu.memory_space<vmem>>, vector<16xf32>,
    %eq3A_896 = arith.constant 3 : i32
    %eq3A_897 = vector.broadcast %eq3A_896 : i32 to vector<16xi32>
    %eq3A_898 = arith.cmpi eq, %select_n3A_843, %eq3A_897 : vector<16xi32>
    %select_n3A_899 = arith.select %eq3A_898, %div3A_851, %broadcast_in_dim3A_856 : vector<16xi1>, vector<16xf32>
    %eq3A_900 = arith.constant 3 : i32
    %eq3A_901 = vector.broadcast %eq3A_900 : i32 to vector<16xi32>
    %eq3A_902 = arith.cmpi eq, %select_n3A_839, %eq3A_901 : vector<16xi32>
    %select_n3A_903 = arith.select %eq3A_902, %sub3A_854, %broadcast_in_dim3A_856 : vector<16xi1>, vector<16xf32>
    %add3A_904 = arith.addf %select_n3A_899, %select_n3A_903 : vector<16xf32>
    %swap3A_905 = arith.constant 240 : index
    %swap3A_906 = tpu.vector_load %arg5[%swap3A_905] {strides = array<i32>} : memref<512xf32, #tpu.memory_space<vmem>>, vector<16xf32>,
    %swap3A_907 = vector.shape_cast %swap3A_906 : vector<16xf32> to vector<16xf32>
    %swap3A_908 = vector.shape_cast %add3A_904 : vector<16xf32> to vector<16xf32>
    tpu.vector_store %arg5[%swap3A_905], %swap3A_908 {strides = array<i32>} : memref<512xf32, #tpu.memory_space<vmem>>, vector<16xf32>,
    %eq3A_909 = arith.constant 4 : i32
    %eq3A_910 = vector.broadcast %eq3A_909 : i32 to vector<16xi32>
    %eq3A_911 = arith.cmpi eq, %select_n3A_843, %eq3A_910 : vector<16xi32>
    %select_n3A_912 = arith.select %eq3A_911, %div3A_851, %broadcast_in_dim3A_856 : vector<16xi1>, vector<16xf32>
    %eq3A_913 = arith.constant 4 : i32
    %eq3A_914 = vector.broadcast %eq3A_913 : i32 to vector<16xi32>
    %eq3A_915 = arith.cmpi eq, %select_n3A_839, %eq3A_914 : vector<16xi32>
    %select_n3A_916 = arith.select %eq3A_915, %sub3A_854, %broadcast_in_dim3A_856 : vector<16xi1>, vector<16xf32>
    %add3A_917 = arith.addf %select_n3A_912, %select_n3A_916 : vector<16xf32>
    %swap3A_918 = arith.constant 304 : index
    %swap3A_919 = tpu.vector_load %arg5[%swap3A_918] {strides = array<i32>} : memref<512xf32, #tpu.memory_space<vmem>>, vector<16xf32>,
    %swap3A_920 = vector.shape_cast %swap3A_919 : vector<16xf32> to vector<16xf32>
    %swap3A_921 = vector.shape_cast %add3A_917 : vector<16xf32> to vector<16xf32>
    tpu.vector_store %arg5[%swap3A_918], %swap3A_921 {strides = array<i32>} : memref<512xf32, #tpu.memory_space<vmem>>, vector<16xf32>,
    %eq3A_922 = arith.constant 5 : i32
    %eq3A_923 = vector.broadcast %eq3A_922 : i32 to vector<16xi32>
    %eq3A_924 = arith.cmpi eq, %select_n3A_843, %eq3A_923 : vector<16xi32>
    %select_n3A_925 = arith.select %eq3A_924, %div3A_851, %broadcast_in_dim3A_856 : vector<16xi1>, vector<16xf32>
    %eq3A_926 = arith.constant 5 : i32
    %eq3A_927 = vector.broadcast %eq3A_926 : i32 to vector<16xi32>
    %eq3A_928 = arith.cmpi eq, %select_n3A_839, %eq3A_927 : vector<16xi32>
    %select_n3A_929 = arith.select %eq3A_928, %sub3A_854, %broadcast_in_dim3A_856 : vector<16xi1>, vector<16xf32>
    %add3A_930 = arith.addf %select_n3A_925, %select_n3A_929 : vector<16xf32>
    %swap3A_931 = arith.constant 368 : index
    %swap3A_932 = tpu.vector_load %arg5[%swap3A_931] {strides = array<i32>} : memref<512xf32, #tpu.memory_space<vmem>>, vector<16xf32>,
    %swap3A_933 = vector.shape_cast %swap3A_932 : vector<16xf32> to vector<16xf32>
    %swap3A_934 = vector.shape_cast %add3A_930 : vector<16xf32> to vector<16xf32>
    tpu.vector_store %arg5[%swap3A_931], %swap3A_934 {strides = array<i32>} : memref<512xf32, #tpu.memory_space<vmem>>, vector<16xf32>,
    %eq3A_935 = arith.constant 6 : i32
    %eq3A_936 = vector.broadcast %eq3A_935 : i32 to vector<16xi32>
    %eq3A_937 = arith.cmpi eq, %select_n3A_843, %eq3A_936 : vector<16xi32>
    %select_n3A_938 = arith.select %eq3A_937, %div3A_851, %broadcast_in_dim3A_856 : vector<16xi1>, vector<16xf32>
    %eq3A_939 = arith.constant 6 : i32
    %eq3A_940 = vector.broadcast %eq3A_939 : i32 to vector<16xi32>
    %eq3A_941 = arith.cmpi eq, %select_n3A_839, %eq3A_940 : vector<16xi32>
    %select_n3A_942 = arith.select %eq3A_941, %sub3A_854, %broadcast_in_dim3A_856 : vector<16xi1>, vector<16xf32>
    %add3A_943 = arith.addf %select_n3A_938, %select_n3A_942 : vector<16xf32>
    %swap3A_944 = arith.constant 432 : index
    %swap3A_945 = tpu.vector_load %arg5[%swap3A_944] {strides = array<i32>} : memref<512xf32, #tpu.memory_space<vmem>>, vector<16xf32>,
    %swap3A_946 = vector.shape_cast %swap3A_945 : vector<16xf32> to vector<16xf32>
    %swap3A_947 = vector.shape_cast %add3A_943 : vector<16xf32> to vector<16xf32>
    tpu.vector_store %arg5[%swap3A_944], %swap3A_947 {strides = array<i32>} : memref<512xf32, #tpu.memory_space<vmem>>, vector<16xf32>,
    %eq3A_948 = arith.constant 7 : i32
    %eq3A_949 = vector.broadcast %eq3A_948 : i32 to vector<16xi32>
    %eq3A_950 = arith.cmpi eq, %select_n3A_843, %eq3A_949 : vector<16xi32>
    %select_n3A_951 = arith.select %eq3A_950, %div3A_851, %broadcast_in_dim3A_856 : vector<16xi1>, vector<16xf32>
    %eq3A_952 = arith.constant 7 : i32
    %eq3A_953 = vector.broadcast %eq3A_952 : i32 to vector<16xi32>
    %eq3A_954 = arith.cmpi eq, %select_n3A_839, %eq3A_953 : vector<16xi32>
    %select_n3A_955 = arith.select %eq3A_954, %sub3A_854, %broadcast_in_dim3A_856 : vector<16xi1>, vector<16xf32>
    %add3A_956 = arith.addf %select_n3A_951, %select_n3A_955 : vector<16xf32>
    %swap3A_957 = arith.constant 496 : index
    %swap3A_958 = tpu.vector_load %arg5[%swap3A_957] {strides = array<i32>} : memref<512xf32, #tpu.memory_space<vmem>>, vector<16xf32>,
    %swap3A_959 = vector.shape_cast %swap3A_958 : vector<16xf32> to vector<16xf32>
    %swap3A_960 = vector.shape_cast %add3A_956 : vector<16xf32> to vector<16xf32>
    tpu.vector_store %arg5[%swap3A_957], %swap3A_960 {strides = array<i32>} : memref<512xf32, #tpu.memory_space<vmem>>, vector<16xf32>,
    %add3A_961 = arith.constant 0 : i32
    %add3A_962 = arith.addi %add3A_961, %mul3A_2 : i32
    "tpu.region"() ({
      %run_scoped3A = tpu.sem_alloc : memref<!tpu.dma_semaphore, #tpu.memory_space<semaphore_mem>>
      %dma_start3A = arith.constant 0 : i32
      %dma_start3A_977 = tpu.memref_slice %arg5[%dma_start3A] : memref<512xf32, #tpu.memory_space<vmem>> -> memref<64xf32, #tpu.memory_space<vmem>>
      %dma_start3A_978 = tpu.memref_slice %arg3[%add3A_962] : memref<16384xf32, #tpu.memory_space<hbm>> -> memref<64xf32, #tpu.memory_space<hbm>>
      %dma_start3A_979 = tpu.memref_slice %arg3[%add3A_962] : memref<16384xf32, #tpu.memory_space<hbm>> -> memref<64xf32, #tpu.memory_space<hbm>>
      %dma_start3A_980 = arith.constant 0 : i32
      %dma_start3A_981 = tpu.memref_slice %arg5[%dma_start3A_980] : memref<512xf32, #tpu.memory_space<vmem>> -> memref<64xf32, #tpu.memory_space<vmem>>
      tpu.enqueue_dma source(%dma_start3A_981 : memref<64xf32, #tpu.memory_space<vmem>>) target(%dma_start3A_979 : memref<64xf32, #tpu.memory_space<hbm>>) target_semaphore(%run_scoped3A : memref<!tpu.dma_semaphore, #tpu.memory_space<semaphore_mem>>)
      %dma_wait3A = arith.constant 0 : i32
      %dma_wait3A_982 = tpu.memref_slice %arg5[%dma_wait3A] : memref<512xf32, #tpu.memory_space<vmem>> -> memref<64xf32, #tpu.memory_space<vmem>>
      %dma_wait3A_983 = tpu.memref_slice %arg3[%add3A_962] : memref<16384xf32, #tpu.memory_space<hbm>> -> memref<64xf32, #tpu.memory_space<hbm>>
      %dma_wait3A_984 = tpu.memref_slice %arg3[%add3A_962] : memref<16384xf32, #tpu.memory_space<hbm>> -> memref<64xf32, #tpu.memory_space<hbm>>
      %dma_wait3A_985 = arith.constant 0 : i32
      %dma_wait3A_986 = tpu.memref_slice %arg5[%dma_wait3A_985] : memref<512xf32, #tpu.memory_space<vmem>> -> memref<64xf32, #tpu.memory_space<vmem>>
      tpu.wait_dma2 semaphore(%run_scoped3A : memref<!tpu.dma_semaphore, #tpu.memory_space<semaphore_mem>>) src(%dma_wait3A_986 : memref<64xf32, #tpu.memory_space<vmem>>) dst(%dma_wait3A_984 : memref<64xf32, #tpu.memory_space<hbm>>)
      tpu.yield
    }) : () -> ()
    %add3A_963 = arith.constant 2048 : i32
    %add3A_964 = arith.addi %add3A_963, %mul3A_2 : i32
    "tpu.region"() ({
      %run_scoped3A = tpu.sem_alloc : memref<!tpu.dma_semaphore, #tpu.memory_space<semaphore_mem>>
      %dma_start3A = arith.constant 64 : i32
      %dma_start3A_977 = tpu.memref_slice %arg5[%dma_start3A] : memref<512xf32, #tpu.memory_space<vmem>> -> memref<64xf32, #tpu.memory_space<vmem>>
      %dma_start3A_978 = tpu.memref_slice %arg3[%add3A_964] : memref<16384xf32, #tpu.memory_space<hbm>> -> memref<64xf32, #tpu.memory_space<hbm>>
      %dma_start3A_979 = tpu.memref_slice %arg3[%add3A_964] : memref<16384xf32, #tpu.memory_space<hbm>> -> memref<64xf32, #tpu.memory_space<hbm>>
      %dma_start3A_980 = arith.constant 64 : i32
      %dma_start3A_981 = tpu.memref_slice %arg5[%dma_start3A_980] : memref<512xf32, #tpu.memory_space<vmem>> -> memref<64xf32, #tpu.memory_space<vmem>>
      tpu.enqueue_dma source(%dma_start3A_981 : memref<64xf32, #tpu.memory_space<vmem>>) target(%dma_start3A_979 : memref<64xf32, #tpu.memory_space<hbm>>) target_semaphore(%run_scoped3A : memref<!tpu.dma_semaphore, #tpu.memory_space<semaphore_mem>>)
      %dma_wait3A = arith.constant 64 : i32
      %dma_wait3A_982 = tpu.memref_slice %arg5[%dma_wait3A] : memref<512xf32, #tpu.memory_space<vmem>> -> memref<64xf32, #tpu.memory_space<vmem>>
      %dma_wait3A_983 = tpu.memref_slice %arg3[%add3A_964] : memref<16384xf32, #tpu.memory_space<hbm>> -> memref<64xf32, #tpu.memory_space<hbm>>
      %dma_wait3A_984 = tpu.memref_slice %arg3[%add3A_964] : memref<16384xf32, #tpu.memory_space<hbm>> -> memref<64xf32, #tpu.memory_space<hbm>>
      %dma_wait3A_985 = arith.constant 64 : i32
      %dma_wait3A_986 = tpu.memref_slice %arg5[%dma_wait3A_985] : memref<512xf32, #tpu.memory_space<vmem>> -> memref<64xf32, #tpu.memory_space<vmem>>
      tpu.wait_dma2 semaphore(%run_scoped3A : memref<!tpu.dma_semaphore, #tpu.memory_space<semaphore_mem>>) src(%dma_wait3A_986 : memref<64xf32, #tpu.memory_space<vmem>>) dst(%dma_wait3A_984 : memref<64xf32, #tpu.memory_space<hbm>>)
      tpu.yield
    }) : () -> ()
    %add3A_965 = arith.constant 4096 : i32
    %add3A_966 = arith.addi %add3A_965, %mul3A_2 : i32
    "tpu.region"() ({
      %run_scoped3A = tpu.sem_alloc : memref<!tpu.dma_semaphore, #tpu.memory_space<semaphore_mem>>
      %dma_start3A = arith.constant 128 : i32
      %dma_start3A_977 = tpu.memref_slice %arg5[%dma_start3A] : memref<512xf32, #tpu.memory_space<vmem>> -> memref<64xf32, #tpu.memory_space<vmem>>
      %dma_start3A_978 = tpu.memref_slice %arg3[%add3A_966] : memref<16384xf32, #tpu.memory_space<hbm>> -> memref<64xf32, #tpu.memory_space<hbm>>
      %dma_start3A_979 = tpu.memref_slice %arg3[%add3A_966] : memref<16384xf32, #tpu.memory_space<hbm>> -> memref<64xf32, #tpu.memory_space<hbm>>
      %dma_start3A_980 = arith.constant 128 : i32
      %dma_start3A_981 = tpu.memref_slice %arg5[%dma_start3A_980] : memref<512xf32, #tpu.memory_space<vmem>> -> memref<64xf32, #tpu.memory_space<vmem>>
      tpu.enqueue_dma source(%dma_start3A_981 : memref<64xf32, #tpu.memory_space<vmem>>) target(%dma_start3A_979 : memref<64xf32, #tpu.memory_space<hbm>>) target_semaphore(%run_scoped3A : memref<!tpu.dma_semaphore, #tpu.memory_space<semaphore_mem>>)
      %dma_wait3A = arith.constant 128 : i32
      %dma_wait3A_982 = tpu.memref_slice %arg5[%dma_wait3A] : memref<512xf32, #tpu.memory_space<vmem>> -> memref<64xf32, #tpu.memory_space<vmem>>
      %dma_wait3A_983 = tpu.memref_slice %arg3[%add3A_966] : memref<16384xf32, #tpu.memory_space<hbm>> -> memref<64xf32, #tpu.memory_space<hbm>>
      %dma_wait3A_984 = tpu.memref_slice %arg3[%add3A_966] : memref<16384xf32, #tpu.memory_space<hbm>> -> memref<64xf32, #tpu.memory_space<hbm>>
      %dma_wait3A_985 = arith.constant 128 : i32
      %dma_wait3A_986 = tpu.memref_slice %arg5[%dma_wait3A_985] : memref<512xf32, #tpu.memory_space<vmem>> -> memref<64xf32, #tpu.memory_space<vmem>>
      tpu.wait_dma2 semaphore(%run_scoped3A : memref<!tpu.dma_semaphore, #tpu.memory_space<semaphore_mem>>) src(%dma_wait3A_986 : memref<64xf32, #tpu.memory_space<vmem>>) dst(%dma_wait3A_984 : memref<64xf32, #tpu.memory_space<hbm>>)
      tpu.yield
    }) : () -> ()
    %add3A_967 = arith.constant 6144 : i32
    %add3A_968 = arith.addi %add3A_967, %mul3A_2 : i32
    "tpu.region"() ({
      %run_scoped3A = tpu.sem_alloc : memref<!tpu.dma_semaphore, #tpu.memory_space<semaphore_mem>>
      %dma_start3A = arith.constant 192 : i32
      %dma_start3A_977 = tpu.memref_slice %arg5[%dma_start3A] : memref<512xf32, #tpu.memory_space<vmem>> -> memref<64xf32, #tpu.memory_space<vmem>>
      %dma_start3A_978 = tpu.memref_slice %arg3[%add3A_968] : memref<16384xf32, #tpu.memory_space<hbm>> -> memref<64xf32, #tpu.memory_space<hbm>>
      %dma_start3A_979 = tpu.memref_slice %arg3[%add3A_968] : memref<16384xf32, #tpu.memory_space<hbm>> -> memref<64xf32, #tpu.memory_space<hbm>>
      %dma_start3A_980 = arith.constant 192 : i32
      %dma_start3A_981 = tpu.memref_slice %arg5[%dma_start3A_980] : memref<512xf32, #tpu.memory_space<vmem>> -> memref<64xf32, #tpu.memory_space<vmem>>
      tpu.enqueue_dma source(%dma_start3A_981 : memref<64xf32, #tpu.memory_space<vmem>>) target(%dma_start3A_979 : memref<64xf32, #tpu.memory_space<hbm>>) target_semaphore(%run_scoped3A : memref<!tpu.dma_semaphore, #tpu.memory_space<semaphore_mem>>)
      %dma_wait3A = arith.constant 192 : i32
      %dma_wait3A_982 = tpu.memref_slice %arg5[%dma_wait3A] : memref<512xf32, #tpu.memory_space<vmem>> -> memref<64xf32, #tpu.memory_space<vmem>>
      %dma_wait3A_983 = tpu.memref_slice %arg3[%add3A_968] : memref<16384xf32, #tpu.memory_space<hbm>> -> memref<64xf32, #tpu.memory_space<hbm>>
      %dma_wait3A_984 = tpu.memref_slice %arg3[%add3A_968] : memref<16384xf32, #tpu.memory_space<hbm>> -> memref<64xf32, #tpu.memory_space<hbm>>
      %dma_wait3A_985 = arith.constant 192 : i32
      %dma_wait3A_986 = tpu.memref_slice %arg5[%dma_wait3A_985] : memref<512xf32, #tpu.memory_space<vmem>> -> memref<64xf32, #tpu.memory_space<vmem>>
      tpu.wait_dma2 semaphore(%run_scoped3A : memref<!tpu.dma_semaphore, #tpu.memory_space<semaphore_mem>>) src(%dma_wait3A_986 : memref<64xf32, #tpu.memory_space<vmem>>) dst(%dma_wait3A_984 : memref<64xf32, #tpu.memory_space<hbm>>)
      tpu.yield
    }) : () -> ()
    %add3A_969 = arith.constant 8192 : i32
    %add3A_970 = arith.addi %add3A_969, %mul3A_2 : i32
    "tpu.region"() ({
      %run_scoped3A = tpu.sem_alloc : memref<!tpu.dma_semaphore, #tpu.memory_space<semaphore_mem>>
      %dma_start3A = arith.constant 256 : i32
      %dma_start3A_977 = tpu.memref_slice %arg5[%dma_start3A] : memref<512xf32, #tpu.memory_space<vmem>> -> memref<64xf32, #tpu.memory_space<vmem>>
      %dma_start3A_978 = tpu.memref_slice %arg3[%add3A_970] : memref<16384xf32, #tpu.memory_space<hbm>> -> memref<64xf32, #tpu.memory_space<hbm>>
      %dma_start3A_979 = tpu.memref_slice %arg3[%add3A_970] : memref<16384xf32, #tpu.memory_space<hbm>> -> memref<64xf32, #tpu.memory_space<hbm>>
      %dma_start3A_980 = arith.constant 256 : i32
      %dma_start3A_981 = tpu.memref_slice %arg5[%dma_start3A_980] : memref<512xf32, #tpu.memory_space<vmem>> -> memref<64xf32, #tpu.memory_space<vmem>>
      tpu.enqueue_dma source(%dma_start3A_981 : memref<64xf32, #tpu.memory_space<vmem>>) target(%dma_start3A_979 : memref<64xf32, #tpu.memory_space<hbm>>) target_semaphore(%run_scoped3A : memref<!tpu.dma_semaphore, #tpu.memory_space<semaphore_mem>>)
      %dma_wait3A = arith.constant 256 : i32
      %dma_wait3A_982 = tpu.memref_slice %arg5[%dma_wait3A] : memref<512xf32, #tpu.memory_space<vmem>> -> memref<64xf32, #tpu.memory_space<vmem>>
      %dma_wait3A_983 = tpu.memref_slice %arg3[%add3A_970] : memref<16384xf32, #tpu.memory_space<hbm>> -> memref<64xf32, #tpu.memory_space<hbm>>
      %dma_wait3A_984 = tpu.memref_slice %arg3[%add3A_970] : memref<16384xf32, #tpu.memory_space<hbm>> -> memref<64xf32, #tpu.memory_space<hbm>>
      %dma_wait3A_985 = arith.constant 256 : i32
      %dma_wait3A_986 = tpu.memref_slice %arg5[%dma_wait3A_985] : memref<512xf32, #tpu.memory_space<vmem>> -> memref<64xf32, #tpu.memory_space<vmem>>
      tpu.wait_dma2 semaphore(%run_scoped3A : memref<!tpu.dma_semaphore, #tpu.memory_space<semaphore_mem>>) src(%dma_wait3A_986 : memref<64xf32, #tpu.memory_space<vmem>>) dst(%dma_wait3A_984 : memref<64xf32, #tpu.memory_space<hbm>>)
      tpu.yield
    }) : () -> ()
    %add3A_971 = arith.constant 10240 : i32
    %add3A_972 = arith.addi %add3A_971, %mul3A_2 : i32
    "tpu.region"() ({
      %run_scoped3A = tpu.sem_alloc : memref<!tpu.dma_semaphore, #tpu.memory_space<semaphore_mem>>
      %dma_start3A = arith.constant 320 : i32
      %dma_start3A_977 = tpu.memref_slice %arg5[%dma_start3A] : memref<512xf32, #tpu.memory_space<vmem>> -> memref<64xf32, #tpu.memory_space<vmem>>
      %dma_start3A_978 = tpu.memref_slice %arg3[%add3A_972] : memref<16384xf32, #tpu.memory_space<hbm>> -> memref<64xf32, #tpu.memory_space<hbm>>
      %dma_start3A_979 = tpu.memref_slice %arg3[%add3A_972] : memref<16384xf32, #tpu.memory_space<hbm>> -> memref<64xf32, #tpu.memory_space<hbm>>
      %dma_start3A_980 = arith.constant 320 : i32
      %dma_start3A_981 = tpu.memref_slice %arg5[%dma_start3A_980] : memref<512xf32, #tpu.memory_space<vmem>> -> memref<64xf32, #tpu.memory_space<vmem>>
      tpu.enqueue_dma source(%dma_start3A_981 : memref<64xf32, #tpu.memory_space<vmem>>) target(%dma_start3A_979 : memref<64xf32, #tpu.memory_space<hbm>>) target_semaphore(%run_scoped3A : memref<!tpu.dma_semaphore, #tpu.memory_space<semaphore_mem>>)
      %dma_wait3A = arith.constant 320 : i32
      %dma_wait3A_982 = tpu.memref_slice %arg5[%dma_wait3A] : memref<512xf32, #tpu.memory_space<vmem>> -> memref<64xf32, #tpu.memory_space<vmem>>
      %dma_wait3A_983 = tpu.memref_slice %arg3[%add3A_972] : memref<16384xf32, #tpu.memory_space<hbm>> -> memref<64xf32, #tpu.memory_space<hbm>>
      %dma_wait3A_984 = tpu.memref_slice %arg3[%add3A_972] : memref<16384xf32, #tpu.memory_space<hbm>> -> memref<64xf32, #tpu.memory_space<hbm>>
      %dma_wait3A_985 = arith.constant 320 : i32
      %dma_wait3A_986 = tpu.memref_slice %arg5[%dma_wait3A_985] : memref<512xf32, #tpu.memory_space<vmem>> -> memref<64xf32, #tpu.memory_space<vmem>>
      tpu.wait_dma2 semaphore(%run_scoped3A : memref<!tpu.dma_semaphore, #tpu.memory_space<semaphore_mem>>) src(%dma_wait3A_986 : memref<64xf32, #tpu.memory_space<vmem>>) dst(%dma_wait3A_984 : memref<64xf32, #tpu.memory_space<hbm>>)
      tpu.yield
    }) : () -> ()
    %add3A_973 = arith.constant 12288 : i32
    %add3A_974 = arith.addi %add3A_973, %mul3A_2 : i32
    "tpu.region"() ({
      %run_scoped3A = tpu.sem_alloc : memref<!tpu.dma_semaphore, #tpu.memory_space<semaphore_mem>>
      %dma_start3A = arith.constant 384 : i32
      %dma_start3A_977 = tpu.memref_slice %arg5[%dma_start3A] : memref<512xf32, #tpu.memory_space<vmem>> -> memref<64xf32, #tpu.memory_space<vmem>>
      %dma_start3A_978 = tpu.memref_slice %arg3[%add3A_974] : memref<16384xf32, #tpu.memory_space<hbm>> -> memref<64xf32, #tpu.memory_space<hbm>>
      %dma_start3A_979 = tpu.memref_slice %arg3[%add3A_974] : memref<16384xf32, #tpu.memory_space<hbm>> -> memref<64xf32, #tpu.memory_space<hbm>>
      %dma_start3A_980 = arith.constant 384 : i32
      %dma_start3A_981 = tpu.memref_slice %arg5[%dma_start3A_980] : memref<512xf32, #tpu.memory_space<vmem>> -> memref<64xf32, #tpu.memory_space<vmem>>
      tpu.enqueue_dma source(%dma_start3A_981 : memref<64xf32, #tpu.memory_space<vmem>>) target(%dma_start3A_979 : memref<64xf32, #tpu.memory_space<hbm>>) target_semaphore(%run_scoped3A : memref<!tpu.dma_semaphore, #tpu.memory_space<semaphore_mem>>)
      %dma_wait3A = arith.constant 384 : i32
      %dma_wait3A_982 = tpu.memref_slice %arg5[%dma_wait3A] : memref<512xf32, #tpu.memory_space<vmem>> -> memref<64xf32, #tpu.memory_space<vmem>>
      %dma_wait3A_983 = tpu.memref_slice %arg3[%add3A_974] : memref<16384xf32, #tpu.memory_space<hbm>> -> memref<64xf32, #tpu.memory_space<hbm>>
      %dma_wait3A_984 = tpu.memref_slice %arg3[%add3A_974] : memref<16384xf32, #tpu.memory_space<hbm>> -> memref<64xf32, #tpu.memory_space<hbm>>
      %dma_wait3A_985 = arith.constant 384 : i32
      %dma_wait3A_986 = tpu.memref_slice %arg5[%dma_wait3A_985] : memref<512xf32, #tpu.memory_space<vmem>> -> memref<64xf32, #tpu.memory_space<vmem>>
      tpu.wait_dma2 semaphore(%run_scoped3A : memref<!tpu.dma_semaphore, #tpu.memory_space<semaphore_mem>>) src(%dma_wait3A_986 : memref<64xf32, #tpu.memory_space<vmem>>) dst(%dma_wait3A_984 : memref<64xf32, #tpu.memory_space<hbm>>)
      tpu.yield
    }) : () -> ()
    %add3A_975 = arith.constant 14336 : i32
    %add3A_976 = arith.addi %add3A_975, %mul3A_2 : i32
    "tpu.region"() ({
      %run_scoped3A = tpu.sem_alloc : memref<!tpu.dma_semaphore, #tpu.memory_space<semaphore_mem>>
      %dma_start3A = arith.constant 448 : i32
      %dma_start3A_977 = tpu.memref_slice %arg5[%dma_start3A] : memref<512xf32, #tpu.memory_space<vmem>> -> memref<64xf32, #tpu.memory_space<vmem>>
      %dma_start3A_978 = tpu.memref_slice %arg3[%add3A_976] : memref<16384xf32, #tpu.memory_space<hbm>> -> memref<64xf32, #tpu.memory_space<hbm>>
      %dma_start3A_979 = tpu.memref_slice %arg3[%add3A_976] : memref<16384xf32, #tpu.memory_space<hbm>> -> memref<64xf32, #tpu.memory_space<hbm>>
      %dma_start3A_980 = arith.constant 448 : i32
      %dma_start3A_981 = tpu.memref_slice %arg5[%dma_start3A_980] : memref<512xf32, #tpu.memory_space<vmem>> -> memref<64xf32, #tpu.memory_space<vmem>>
      tpu.enqueue_dma source(%dma_start3A_981 : memref<64xf32, #tpu.memory_space<vmem>>) target(%dma_start3A_979 : memref<64xf32, #tpu.memory_space<hbm>>) target_semaphore(%run_scoped3A : memref<!tpu.dma_semaphore, #tpu.memory_space<semaphore_mem>>)
      %dma_wait3A = arith.constant 448 : i32
      %dma_wait3A_982 = tpu.memref_slice %arg5[%dma_wait3A] : memref<512xf32, #tpu.memory_space<vmem>> -> memref<64xf32, #tpu.memory_space<vmem>>
      %dma_wait3A_983 = tpu.memref_slice %arg3[%add3A_976] : memref<16384xf32, #tpu.memory_space<hbm>> -> memref<64xf32, #tpu.memory_space<hbm>>
      %dma_wait3A_984 = tpu.memref_slice %arg3[%add3A_976] : memref<16384xf32, #tpu.memory_space<hbm>> -> memref<64xf32, #tpu.memory_space<hbm>>
      %dma_wait3A_985 = arith.constant 448 : i32
      %dma_wait3A_986 = tpu.memref_slice %arg5[%dma_wait3A_985] : memref<512xf32, #tpu.memory_space<vmem>> -> memref<64xf32, #tpu.memory_space<vmem>>
      tpu.wait_dma2 semaphore(%run_scoped3A : memref<!tpu.dma_semaphore, #tpu.memory_space<semaphore_mem>>) src(%dma_wait3A_986 : memref<64xf32, #tpu.memory_space<vmem>>) dst(%dma_wait3A_984 : memref<64xf32, #tpu.memory_space<hbm>>)
      tpu.yield
    }) : () -> ()
    return
  }
}

module attributes {stable_mosaic.version = 14 : i64} {
  func.func @_logits_body(%arg0: memref<2048x768xf32, #tpu.memory_space<vmem>>, %arg1: memref<8x768xf32, #tpu.memory_space<vmem>>, %arg2: memref<8x2048xf32, #tpu.memory_space<vmem>>) attributes {dimension_semantics = [], scalar_prefetch = 0 : i64, scratch_operands = 0 : i64, tpu.core_type = #tpu.core_type<tc>} {
    %get3A = arith.constant 0 : index
    %get3A_0 = arith.constant 0 : index
    %get3A_1 = vector.load %arg1[%get3A, %get3A_0] : memref<8x768xf32, #tpu.memory_space<vmem>>, vector<8x768xf32>
    %get3A_2 = arith.constant 0 : index
    %get3A_3 = arith.constant 0 : index
    %get3A_4 = vector.load %arg0[%get3A_2, %get3A_3] : memref<2048x768xf32, #tpu.memory_space<vmem>>, vector<2048x768xf32>
    %dot_general3A = arith.constant dense<0.000000e+00> : vector<8x2048xf32>
    %dot_general3A_5 = tpu.matmul %get3A_1, %get3A_4, %dot_general3A {dimension_numbers = #tpu.dot_dimension_numbers<[1], [1], [0], [0], [0, 0, 1, 0], [], []>, transpose_lhs_hint = false} : vector<8x768xf32>, vector<2048x768xf32>, vector<8x2048xf32> -> vector<8x2048xf32>
    %swap3A = arith.constant 0 : index
    %swap3A_6 = arith.constant 0 : index
    %swap3A_7 = vector.load %arg2[%swap3A, %swap3A_6] : memref<8x2048xf32, #tpu.memory_space<vmem>>, vector<8x2048xf32>
    tpu.vector_store %arg2[%swap3A, %swap3A_6], %dot_general3A_5 {strides = array<i32>} : memref<8x2048xf32, #tpu.memory_space<vmem>>, vector<8x2048xf32>,
    return
  }
}

module attributes {stable_mosaic.version = 14 : i64} {
  func.func @_moe_body(%arg0: i32, %arg1: memref<2048x768xf32, #tpu.memory_space<vmem>>, %arg2: memref<1x2048x1xf32, #tpu.memory_space<vmem>>, %arg3: memref<1x1x768xf32, #tpu.memory_space<vmem>>, %arg4: memref<1x768x768xf32, #tpu.memory_space<vmem>>, %arg5: memref<2048x768xf32, #tpu.memory_space<vmem>>, %arg6: memref<2048x768xbf16, #tpu.memory_space<vmem>>) attributes {dimension_semantics = [#tpu.dimension_semantics<arbitrary>], iteration_bounds = array<i64: 8>, scalar_prefetch = 0 : i64, scratch_operands = 1 : i64, tpu.core_type = #tpu.core_type<tc>, window_params = [{pipeline_mode = #tpu.pipeline_mode<synchronous>, transform_indices = @transform_0, window_bounds = array<i64: 2048, 768>}, {transform_indices = @transform_1, window_bounds = array<i64: 1, 2048, 1>}, {transform_indices = @transform_2, window_bounds = array<i64: 1, 1, 768>}, {transform_indices = @transform_3, window_bounds = array<i64: 1, 768, 768>}, {pipeline_mode = #tpu.pipeline_mode<synchronous>, transform_indices = @transform_4, window_bounds = array<i64: 2048, 768>}]} {
    %eq3A = arith.constant 0 : i32
    %eq3A_0 = arith.cmpi eq, %arg0, %eq3A : i32
    %convert_element_type3A = arith.extui %eq3A_0 : i1 to i32
    %cond3A = arith.constant 0 : i32
    %cond3A_1 = arith.cmpi ne, %convert_element_type3A, %cond3A : i32
    scf.if %cond3A_1 {
      %get3A_32 = arith.constant 0 : index
      %get3A_33 = arith.constant 0 : index
      %get3A_34 = vector.load %arg1[%get3A_32, %get3A_33] : memref<2048x768xf32, #tpu.memory_space<vmem>>, vector<2048x768xf32>
      %convert_element_type3A_35 = arith.truncf %get3A_34 : vector<2048x768xf32> to vector<2048x768xbf16>
      %swap3A = arith.constant 0 : index
      %swap3A_36 = arith.constant 0 : index
      %swap3A_37 = vector.load %arg6[%swap3A, %swap3A_36] : memref<2048x768xbf16, #tpu.memory_space<vmem>>, vector<2048x768xbf16>
      tpu.vector_store %arg6[%swap3A, %swap3A_36], %convert_element_type3A_35 {strides = array<i32>} : memref<2048x768xbf16, #tpu.memory_space<vmem>>, vector<2048x768xbf16>,
    } else {
    }
    %get3A = arith.constant 0 : index
    %get3A_2 = arith.constant 0 : index
    %get3A_3 = arith.constant 0 : index
    %get3A_4 = vector.load %arg4[%get3A, %get3A_2, %get3A_3] : memref<1x768x768xf32, #tpu.memory_space<vmem>>, vector<1x768x768xf32>
    %get3A_5 = vector.shape_cast %get3A_4 : vector<1x768x768xf32> to vector<768x768xf32>
    %convert_element_type3A_6 = arith.truncf %get3A_5 : vector<768x768xf32> to vector<768x768xbf16>
    %get3A_7 = arith.constant 0 : index
    %get3A_8 = arith.constant 0 : index
    %get3A_9 = vector.load %arg6[%get3A_7, %get3A_8] : memref<2048x768xbf16, #tpu.memory_space<vmem>>, vector<2048x768xbf16>
    %dot_general3A = arith.constant dense<0.000000e+00> : vector<2048x768xf32>
    %dot_general3A_10 = tpu.matmul %get3A_9, %convert_element_type3A_6, %dot_general3A {dimension_numbers = #tpu.dot_dimension_numbers<[1], [0], [0], [1], [0, 0, 1, 1], [], []>, transpose_lhs_hint = false} : vector<2048x768xbf16>, vector<768x768xbf16>, vector<2048x768xf32> -> vector<2048x768xf32>
    %get3A_11 = arith.constant 0 : index
    %get3A_12 = arith.constant 0 : index
    %get3A_13 = arith.constant 0 : index
    %get3A_14 = vector.load %arg2[%get3A_11, %get3A_12, %get3A_13] : memref<1x2048x1xf32, #tpu.memory_space<vmem>>, vector<1x2048x1xf32>
    %get3A_15 = vector.shape_cast %get3A_14 : vector<1x2048x1xf32> to vector<2048x1xf32>
    %get3A_16 = arith.constant 0 : index
    %get3A_17 = arith.constant 0 : index
    %get3A_18 = arith.constant 0 : index
    %get3A_19 = vector.load %arg3[%get3A_16, %get3A_17, %get3A_18] : memref<1x1x768xf32, #tpu.memory_space<vmem>>, vector<1x1x768xf32>
    %get3A_20 = vector.shape_cast %get3A_19 : vector<1x1x768xf32> to vector<1x768xf32>
    %add3A = vector.broadcast %get3A_20 : vector<1x768xf32> to vector<2048x768xf32>
    %add3A_21 = arith.addf %dot_general3A_10, %add3A : vector<2048x768xf32>
    %mul3A = vector.broadcast %get3A_15 : vector<2048x1xf32> to vector<2048x768xf32>
    %mul3A_22 = arith.mulf %mul3A, %add3A_21 : vector<2048x768xf32>
    %eq3A_23 = arith.constant 0 : i32
    %eq3A_24 = arith.cmpi eq, %arg0, %eq3A_23 : i32
    %convert_element_type3A_25 = arith.extui %eq3A_24 : i1 to i32
    %cond3A_26 = arith.constant 0 : i32
    %cond3A_27 = arith.cmpi ne, %convert_element_type3A_25, %cond3A_26 : i32
    scf.if %cond3A_27 {
      %swap3A = arith.constant 0 : index
      %swap3A_32 = arith.constant 0 : index
      %swap3A_33 = vector.load %arg5[%swap3A, %swap3A_32] : memref<2048x768xf32, #tpu.memory_space<vmem>>, vector<2048x768xf32>
      tpu.vector_store %arg5[%swap3A, %swap3A_32], %mul3A_22 {strides = array<i32>} : memref<2048x768xf32, #tpu.memory_space<vmem>>, vector<2048x768xf32>,
    } else {
    }
    %ne3A = arith.constant 0 : i32
    %ne3A_28 = arith.cmpi ne, %arg0, %ne3A : i32
    %convert_element_type3A_29 = arith.extui %ne3A_28 : i1 to i32
    %cond3A_30 = arith.constant 0 : i32
    %cond3A_31 = arith.cmpi ne, %convert_element_type3A_29, %cond3A_30 : i32
    scf.if %cond3A_31 {
      %get3A_32 = arith.constant 0 : index
      %get3A_33 = arith.constant 0 : index
      %get3A_34 = vector.load %arg5[%get3A_32, %get3A_33] : memref<2048x768xf32, #tpu.memory_space<vmem>>, vector<2048x768xf32>
      %add3A_35 = arith.addf %get3A_34, %mul3A_22 : vector<2048x768xf32>
      %swap3A = arith.constant 0 : index
      %swap3A_36 = arith.constant 0 : index
      %swap3A_37 = vector.load %arg5[%swap3A, %swap3A_36] : memref<2048x768xf32, #tpu.memory_space<vmem>>, vector<2048x768xf32>
      tpu.vector_store %arg5[%swap3A, %swap3A_36], %add3A_35 {strides = array<i32>} : memref<2048x768xf32, #tpu.memory_space<vmem>>, vector<2048x768xf32>,
    } else {
    }
    return
  }
  func.func @transform_0(%arg0: i32) -> (i32, i32) {
    %c0_i32 = arith.constant 0 : i32
    %c0_i32_0 = arith.constant 0 : i32
    %c0_i32_1 = arith.constant 0 : i32
    return %c0_i32, %c0_i32_0 : i32, i32
  }
  func.func @transform_1(%arg0: i32) -> (i32, i32, i32) {
    %c0_i32 = arith.constant 0 : i32
    %c0_i32_0 = arith.constant 0 : i32
    %c0_i32_1 = arith.constant 0 : i32
    return %arg0, %c0_i32, %c0_i32_0 : i32, i32, i32
  }
  func.func @transform_2(%arg0: i32) -> (i32, i32, i32) {
    %c0_i32 = arith.constant 0 : i32
    %c0_i32_0 = arith.constant 0 : i32
    %c0_i32_1 = arith.constant 0 : i32
    return %arg0, %c0_i32, %c0_i32_0 : i32, i32, i32
  }
  func.func @transform_3(%arg0: i32) -> (i32, i32, i32) {
    %c0_i32 = arith.constant 0 : i32
    %c0_i32_0 = arith.constant 0 : i32
    %c0_i32_1 = arith.constant 0 : i32
    return %arg0, %c0_i32, %c0_i32_0 : i32, i32, i32
  }
  func.func @transform_4(%arg0: i32) -> (i32, i32) {
    %c0_i32 = arith.constant 0 : i32
    %c0_i32_0 = arith.constant 0 : i32
    %c0_i32_1 = arith.constant 0 : i32
    return %c0_i32, %c0_i32_0 : i32, i32
  }
}

</mosaic_0001>

<sc_bundles>
// kernel: kernel.5.cloned.1.call-start
scs
__scs_entry_jumppad:
0x0: {  	(pc) =	sbr.rel $0x88, $3  }
0x1: {  	(tag) =	ssettag $0x0;
	lr =	simm.s32 $0x1  }
0x2: {  	[smem:$0x3F9D] =	sst lr;
	_ =	strace $0xD0000000  }
0x3: {  	_ = 	snop  }
0x4: {  	_ = 	snop  }
0x5: {  	_ = 	snop  }
0x6: {  	_ = 	snop  }
0x7: {  	_ = 	snop  }
__scs_overlays_trampoline_lowered:
0x8: {  	[smem:$0x3FAC] =	sst s0  }
0x9: {  	[smem:$0x3FAD] =	sst s1  }
0xa: {  	[smem:$0x3FAE] =	sst s2  }
0xb: {  	[smem:$0x3FAF] =	sst s3  }
0xc: {  	[smem:$0x3FB0] =	sst s4  }
0xd: {  	[smem:$0x3FB1] =	sst s5  }
0xe: {  	[smem:$0x3FB2] =	sst s6  }
0xf: {  	[smem:$0x3FB3] =	sst s7  }
0x10: {  	[smem:$0x3FB4] =	sst s8  }
0x11: {  	[smem:$0x3FB5] =	sst s9;
	s0 =	simm.s32 @!p0 $0x0  }
0x12: {  	s1 =	sld [smem:$0x3F9B];
	s0 =	simm.s32 @p0 $0x1  }
0x13: {  	[smem:$0x3FB6] =	sst s0;
	s0 =	simm.s32 @!p1 $0x0  }
0x14: {  	s2 =	sld [smem:$0x3F9A];
	s0 =	simm.s32 @p1 $0x1  }
0x15: {  	[smem:$0x3FB7] =	sst s0;
	s0 =	simm.s32 @!p2 $0x0  }
0x16: {  	s3 =	sld [smem:$0x3FDB];
	s0 =	simm.s32 @p2 $0x1  }
0x17: {  	s4 =	simm.s32 $0x1BF5;
	[smem:$0x3FB9] =	sst s0  }
0x18: {  	s0 =	sld [smem:$0x3F9C];
	_ =	swait.ge [sflag:s4], $0x0  }
0x19: {  	s7 =	sld [smem:$0x3F9D]  }
0x1a: {  	s8 =	sadd.s32 $0xFFFFE003, lr  }
0x1b: {  	s9 =	sadd.s32 $0xFFFFFEF7, lr;
	s5 =	simm.s32 $0xFFFFFFFF;
	p2 =	slt.u32 s8, $0xFFFFF086  }
0x1c: {  	p1 =	slt.u32 s9, $0xF7A;
	s5 =	simm.s32 @!p2 $0x0  }
0x1d: {  	s5 =	simm.s32 @p1 $0x1;
	p0 =	seq.s32 s7, s2  }
0x1e: {  	s7 =	smul.u32 @!p0 $0xF7A, s2;
	p2 =	seq.s32 @!p0 s5, $0x0  }
0x1f: {  	s9 =	smul.u32 $0xF7A, s1;
	s8 =	simm.s32 @!p0 $0x1BF5;
	p2 =	por !p2, p0  }
0x20: {  	[sflag:s8] =	ssyncset.s32 @!p0 $0xFFFFF086;
	s6 =	sadd.s32 @!p0 s3, s7;
	s7 =	simm.s32 @!p0 $0x108  }
0x21: {  	s3 =	sadd.s32 s3, s9;
	s6 =	sadd.s32 @!p0 $0x88, s6;
	s7 =	simm.s32 @p2 $0x1082  }
0x22: {  	[simem:s7], [sflag:s8] =	dma.local @!p0 [hbm:s6], $0xF7A  }
0x23: {  	s9 =	sor.u32 $0xD0000000, s2;
	s6 =	simm.s32 $0x108;
	_ =	swait.ge @!p0 [sflag:s8], $0x0  }
0x24: {  	s3 =	sadd.s32 $0x88, s3;
	s6 =	simm.s32 @!p1 $0x1082;
	[sflag:s4] =	ssyncset.s32 $0xFFFFF086  }
0x25: {  	[simem:s6], [sflag:s4] =	dma.local [hbm:s3], $0xF7A  }
0x26: {  	[smem:$0x3F9D] =	sst s1;
	(tag) =	ssettag s2;
	_ =	strace s9  }
0x27: {  	s1 =	sld [smem:$0x3FAD]  }
0x28: {  	s2 =	sld [smem:$0x3FAE]  }
0x29: {  	s4 =	sld [smem:$0x3FB0]  }
0x2a: {  	p0 =	seq.s32 s5, $0x0;
	s5 =	sld [smem:$0x3FB1]  }
0x2b: {  	s6 =	sld [smem:$0x3FB2]  }
0x2c: {  	s7 =	sld [smem:$0x3FB3]  }
0x2d: {  	s3 =	simm.s32 $0x108;
	s8 =	sld [smem:$0x3FB4]  }
0x2e: {  	s3 =	simm.s32 @!p0 $0x1082;
	s9 =	sld [smem:$0x3FB5]  }
0x2f: {  	lr =	sadd.s32 s0, s3;
	s0 =	sld [smem:$0x3FAC]  }
0x30: {  	s3 =	sld [smem:$0x3FAF]  }
0x31: {  	[smem:$0x3FB8] =	sst s10  }
0x32: {  	s10 =	sld [smem:$0x3FB6];
	_ =	sdelay $0x3  }
0x33: {  	p0 =	seq.s32 s10, $0x1;
	s10 =	sld [smem:$0x3FB8];
	_ =	sdelay $0x3  }
0x34: {  	[smem:$0x3FB8] =	sst s10  }
0x35: {  	s10 =	sld [smem:$0x3FB7];
	_ =	sdelay $0x3  }
0x36: {  	p1 =	seq.s32 s10, $0x1;
	s10 =	sld [smem:$0x3FB8];
	_ =	sdelay $0x3  }
0x37: {  	[smem:$0x3FB8] =	sst s10  }
0x38: {  	s10 =	sld [smem:$0x3FB9]  }
0x39: {  	_ = 	snop;
	(pc) =	sbr.ind lr, $3  }
0x3a: {  	_ = 	snop  }
0x3b: {  	_ = 	snop  }
0x3c: {  	p2 =	seq.s32 s10, $0x1;
	s10 =	sld [smem:$0x3FB8]  }
0x3d: {  	_ =	shalt  }
0x3e: {  	_ =	shalt  }
0x3f: {  	_ =	shalt  }
0x40: {  	_ =	shalt  }
0x41: {  	_ =	shalt  }
0x42: {  	_ =	shalt  }
0x43: {  	_ =	shalt  }
0x44: {  	_ =	shalt  }
0x45: {  	_ =	shalt  }
0x46: {  	_ =	shalt  }
0x47: {  	_ =	shalt  }
0x48: {  	_ =	shalt  }
0x49: {  	_ =	shalt  }
0x4a: {  	_ =	shalt  }
0x4b: {  	_ =	shalt  }
0x4c: {  	_ =	shalt  }
0x4d: {  	_ =	shalt  }
0x4e: {  	_ =	shalt  }
0x4f: {  	_ =	shalt  }
0x50: {  	_ =	shalt  }
0x51: {  	_ =	shalt  }
0x52: {  	_ =	shalt  }
0x53: {  	_ =	shalt  }
0x54: {  	_ =	shalt  }
0x55: {  	_ =	shalt  }
0x56: {  	_ =	shalt  }
0x57: {  	_ =	shalt  }
0x58: {  	_ =	shalt  }
0x59: {  	_ =	shalt  }
0x5a: {  	_ =	shalt  }
0x5b: {  	_ =	shalt  }
0x5c: {  	_ =	shalt  }
0x5d: {  	_ =	shalt  }
0x5e: {  	_ =	shalt  }
0x5f: {  	_ =	shalt  }
0x60: {  	_ =	shalt  }
0x61: {  	_ =	shalt  }
0x62: {  	_ =	shalt  }
0x63: {  	_ =	shalt  }
0x64: {  	_ =	shalt  }
0x65: {  	_ =	shalt  }
0x66: {  	_ =	shalt  }
0x67: {  	_ =	shalt  }
0x68: {  	_ =	shalt  }
0x69: {  	_ =	shalt  }
0x6a: {  	_ =	shalt  }
0x6b: {  	_ =	shalt  }
0x6c: {  	_ =	shalt  }
0x6d: {  	_ =	shalt  }
0x6e: {  	_ =	shalt  }
0x6f: {  	_ =	shalt  }
0x70: {  	_ =	shalt  }
0x71: {  	_ =	shalt  }
0x72: {  	_ =	shalt  }
0x73: {  	_ =	shalt  }
0x74: {  	_ =	shalt  }
0x75: {  	_ =	shalt  }
0x76: {  	_ =	shalt  }
0x77: {  	_ =	shalt  }
0x78: {  	_ =	shalt  }
0x79: {  	_ =	shalt  }
0x7a: {  	_ =	shalt  }
0x7b: {  	_ =	shalt  }
0x7c: {  	_ =	shalt  }
0x7d: {  	_ =	shalt  }
0x7e: {  	_ =	shalt  }
0x7f: {  	_ =	shalt  }
0x80: {  	_ =	shalt  }
0x81: {  	_ =	shalt  }
0x82: {  	_ =	shalt  }
0x83: {  	_ =	shalt  }
0x84: {  	_ =	shalt  }
0x85: {  	_ =	shalt  }
0x86: {  	_ =	shalt  }
0x87: {  	_ =	shalt  }
.Lfunc_end0:
.L_simem_size_0:
called_computation_lowered:
.L_overlay_start_0:
0x88: {  	s2 =	sld [smem:$0x3FD9]  }
0x89: {  	s3 =	sld [smem:$0x3FFE];
	_ =	sdelay $0x1  }
0x8a: {  	s1 =	srdreg.scid  }
0x8b: {  	s0 =	sand.u32 $0x1, s1  }
0x8c: {  	s17 =	sshll.u32 s0, $0xA;
	s2 =	sadd.s32 s3, s2  }
0x8d: {  	s2 =	sadd.s32 s2, s17  }
0x8e: {  	[smem:$0x3FC4] =	sst s2  }
0x8f: {  	_ = 	snop  }
0x90: {  	s2 =	sld [smem:$0x3FD0];
	(tm) =	ssettm $0x1  }
0x91: {  	s18 =	sld [smem:$0x3FFB];
	_ =	sdelay $0x3  }
0x92: {  	_ =	strace s18  }
0x93: {  	s3 =	sld [smem:$0x3FFC];
	_ =	sdelay $0x3  }
0x94: {  	_ =	strace s3  }
0x95: {  	s3 =	sld [smem:$0x3FFD];
	_ =	sdelay $0x3  }
0x96: {  	_ =	strace s3  }
0x97: {  	_ =	strace $0x8FFFFFFF  }
0x98: {  	s19 =	sld [smem:$0x3FDB];
	_ =	sdelay $0x1  }
0x99: {  	s4 =	simm.s32 $_scs_section_size  }
0x9a: {  	s5 =	simm.s32 $_size__tile_overlayer_lowered;
	s6 =	simm.s32 $_tile_overlayer_lowered  }
0x9b: {  	s22 =	simm.s32 $0x1BFF;
	s21 =	sshll.u32 s6, $0x1;
	s3 =	sadd.s32 s4, s19  }
0x9c: {  	s7 =	simm.s32 $0x0;
	s20 =	sshll.u32 s5, $0x1;
	s5 =	sadd.s32 s21, s3  }
0x9d: {  	[timem:s7], [sflag:s22] =	dma.local [hbm:s5], s20  }
0x9e: {  	_ =	swait.ge [sflag:s22], s20  }
0x9f: {  	s4 =	ssub.s32 $0x0, s20;
	[sflag:s22] =	ssyncset.done $0x0  }
0xa0: {  	[sflag:s22] =	ssyncadd.s32 s4;
	_ =	sdelay $0x1  }
0xa1: {  	s23 =	simm.s32 $0x1B8B  }
0xa2: {  	_ =	swait.ge [sflag:s23], $0x1  }
0xa3: {  	[sflag:s23] =	ssyncset.done $0x0  }
0xa4: {  	s25 =	simm.s32 $0x1B8E;
	s24 =	sld [smem:$0x3FFE];
	[sflag:s23] =	ssyncadd.s32 $0xFFFFFFFF  }
0xa5: {  	s26 =	simm.s32 $execute0_lowered;
	[smem:$0x3FD2] =	sst s25  }
0xa6: {  	s5 =	sshll.u32 s26, $0x1;
	_ =	strace $0x80000046;
	[dreg:$0x1] =	wrdreg $0xFFFFFFFF  }
0xa7: {  	s28 =	simm.s32 $_size_execute0_lowered;
	s3 =	sadd.s32 s3, s5;
	[dreg:$0x0] =	wrdreg $0x0  }
0xa8: {  	s5 =	sshll.u32 s28, $0x1;
	[dreg:$0x2] =	wrdreg s3  }
0xa9: {  	[dreg:$0x3] =	wrdreg s5  }
0xaa: {  	[dreg:$0x4] =	wrdreg $0xC0  }
0xab: {  	_ =	task [dreg:s7], $0x5FFFF  }
0xac: {  	[dreg:$0x1] =	wrdreg $0xFFFFFFFF  }
0xad: {  	[dreg:$0x0] =	wrdreg $0x60  }
0xae: {  	[dreg:$0x2] =	wrdreg s2  }
0xaf: {  	[dreg:$0x3] =	wrdreg s24  }
0xb0: {  	[dreg:$0x4] =	wrdreg $0x9  }
0xb1: {  	_ =	task.clear_ibuf [dreg:s7], $0x5FFFF;
	_ =	strace $0x90000046  }
0xb2: {  	s29 =	simm.s32 $0x9;
	_ =	strace $0x80000048  }
0xb3: {  	_ =	swait.ge [sflag:s29], $0x1  }
0xb4: {  	[sflag:s29] =	ssyncadd.s32 $0xFFFFFFFF  }
0xb5: {  	_ =	strace $0x90000048  }
0xb6: {  	_ =	sfence  }
0xb7: {  	s30 =	sld [smem:$0x0];
	_ =	sdelay $0x2  }
0xb8: {  	s31 =	sshll.u32 s1, $0xD;
	s1 =	sshrl.u32 s1, $0x2  }
0xb9: {  	s3 =	sand.u32 $0x4000, s31;
	s1 =	sadd.s32 s1, s30  }
0xba: {  	s0 =	sor.u32 s3, s0;
	s1 =	sshll.u32 s1, $0x11  }
0xbb: {  	s0 =	sor.u32 s1, s0  }
0xbc: {  	s0 =	sadd.s32 $0x8F2B, s0  }
0xbd: {  	[sflag:s0] =	ssyncadd.remote.s32 $0x1  }
0xbe: {  	_ =	sfence.sel $0xFFFF  }
0xbf: {  	[dreg:$0x0] =	wrdreg $0xFFFFFFFF;
	(pc) =	sbr.abs _section_cstart, $3  }
0xc0: {  	[dreg:$0x1] =	wrdreg $0xFFFFFFFF  }
0xc1: {  	_ =	task.clear_ibuf [dreg:s7], $0x2FFFF;
	_ =	strace $0x9FFFFFFF  }
0xc2: {  	(tm) =	ssettm $0x7FFFFFFF  }
0xc3: {  	_ =	shalt  }
tec
execute0_lowered:
.L_overlay_start_1:
0x0: {  	(tag) =	ssettag $0x1  }
0x1: {  	s0 =	rddreg [dreg:$0x0]  }
0x2: {  	s3 =	rddreg [dreg:$0x1]  }
0x3: {  	s2 =	simm.s32 $0x0;
	s4 =	srdreg.scid;
	s1 =	stileid.u32  }
0x4: {  	s17 =	simm.s32 $0x40;
	s18 =	simm.s32 $0x80;
	s19 =	simm.s32 $0xC0  }
0x5: {  	s20 =	simm.s32 $0x100;
	s21 =	simm.s32 $0x140;
	s28 =	simm.s32 $0x2C0  }
0x6: {  	s29 =	simm.s32 $0x300;
	s30 =	simm.s32 $0x340;
	s31 =	simm.s32 $0x380  }
0x7: {  	[smem:$0x7FF] =	sst s2;
	s4 =	sand.u32 $0x1, s4;
	s6 =	sshll.u32 s1, $0x4  }
0x8: {  	s14 =	sadd.s32 $0x800, s3;
	s5 =	ssub.s32 $0x2, s4;
	s4 =	sshll.u32 s4, $0x3  }
0x9: {  	_ =	strace $0x80000047;
	s22 =	sshrl.u32 s5, $0x1;
	s7 =	sor.u32 s4, s6  }
0xa: {  	s15 =	ssub.s32 s5, s22;
	s23 =	sadd.s32 s0, s7;
	s8 =	sor.u32 $0x100, s7  }
0xb: {  	s9 =	sor.u32 $0x200, s7;
	s10 =	sor.u32 $0x300, s7;
	s11 =	sor.u32 $0x400, s7  }
0xc: {  	s12 =	sor.u32 $0x500, s7;
	s13 =	sor.u32 $0x600, s7;
	s16 =	sor.u32 $0x700, s7  }
0xd: {  	s7 =	sadd.s32 s14, s7;
	s22 =	simm.s32 $0x180;
	[dreg:$0x3] =	wrdreg s23  }
0xe: {  	s24 =	sadd.s32 s0, s8;
	s25 =	sadd.s32 s0, s9;
	s26 =	sadd.s32 s0, s10  }
0xf: {  	s3 =	sadd.s32 s0, s11;
	s4 =	sadd.s32 s0, s12;
	s5 =	sadd.s32 s0, s13  }
0x10: {  	s6 =	sadd.s32 s0, s16;
	s8 =	sadd.s32 s14, s8;
	s9 =	sadd.s32 s14, s9  }
0x11: {  	s10 =	sadd.s32 s14, s10;
	s11 =	sadd.s32 s14, s11;
	s12 =	sadd.s32 s14, s12  }
0x12: {  	s13 =	sadd.s32 s14, s13;
	s14 =	sadd.s32 s14, s16;
	[dreg:$0x4] =	wrdreg s24  }
0x13: {  	s15 =	smax.u32 s15, $0x1;
	s16 =	simm.s32 $0x1;
	[dreg:$0x5] =	wrdreg s25  }
0x14: {  	s23 =	simm.s32 $0x1C0;
	s0 =	simm.s32 $0x3C0;
	[dreg:$0x6] =	wrdreg s26  }
0x15: {  	v0 =	vimm.s32 $0x0;
	s24 =	simm.s32 $0x200;
	s25 =	simm.s32 $0x240;
	s26 =	simm.s32 $0x280  }
.LBB2_1:
0x16: {  	s1 =	rddreg [dreg:$0x3]  }
0x17: {  	[tilespmem:s2], [sflag:$0x1] =	stream.linear.gather [hbm4b:s1+s2], $0x40, $0x38;
	[tilespmem:$0x400] =	vst v63  }
0x18: {  	_ =	swait.ge [sflag:s16], $0x40  }
0x19: {  	[sflag:s16] =	ssyncset.done $0x0  }
0x1a: {  	s1 =	rddreg [dreg:$0x4];
	[sflag:s16] =	ssyncadd.s32 $0xFFFFFFC0  }
0x1b: {  	[tilespmem:s17], [sflag:$0x1] =	stream.linear.gather [hbm4b:s1+s2], $0x40, $0x38;
	[tilespmem:$0x400] =	vst v63  }
0x1c: {  	_ =	swait.ge [sflag:s16], $0x40  }
0x1d: {  	[sflag:s16] =	ssyncset.done $0x0  }
0x1e: {  	s1 =	rddreg [dreg:$0x5];
	[sflag:s16] =	ssyncadd.s32 $0xFFFFFFC0  }
0x1f: {  	[tilespmem:s18], [sflag:$0x1] =	stream.linear.gather [hbm4b:s1+s2], $0x40, $0x38;
	[tilespmem:$0x400] =	vst v63  }
0x20: {  	_ =	swait.ge [sflag:s16], $0x40  }
0x21: {  	[sflag:s16] =	ssyncset.done $0x0  }
0x22: {  	s1 =	rddreg [dreg:$0x6];
	[sflag:s16] =	ssyncadd.s32 $0xFFFFFFC0  }
0x23: {  	[tilespmem:s19], [sflag:$0x1] =	stream.linear.gather [hbm4b:s1+s2], $0x40, $0x38;
	[tilespmem:$0x400] =	vst v63  }
0x24: {  	_ =	swait.ge [sflag:s16], $0x40  }
0x25: {  	[sflag:s16] =	ssyncset.done $0x0  }
0x26: {  	[sflag:s16] =	ssyncadd.s32 $0xFFFFFFC0  }
0x27: {  	[tilespmem:s20], [sflag:$0x1] =	stream.linear.gather [hbm4b:s3+s2], $0x40, $0x38;
	[tilespmem:$0x400] =	vst v63  }
0x28: {  	_ =	swait.ge [sflag:s16], $0x40  }
0x29: {  	[sflag:s16] =	ssyncset.done $0x0  }
0x2a: {  	[sflag:s16] =	ssyncadd.s32 $0xFFFFFFC0  }
0x2b: {  	[tilespmem:s21], [sflag:$0x1] =	stream.linear.gather [hbm4b:s4+s2], $0x40, $0x38;
	[tilespmem:$0x400] =	vst v63  }
0x2c: {  	_ =	swait.ge [sflag:s16], $0x40  }
0x2d: {  	[sflag:s16] =	ssyncset.done $0x0  }
0x2e: {  	[sflag:s16] =	ssyncadd.s32 $0xFFFFFFC0  }
0x2f: {  	[tilespmem:s22], [sflag:$0x1] =	stream.linear.gather [hbm4b:s5+s2], $0x40, $0x38;
	[tilespmem:$0x400] =	vst v63  }
0x30: {  	_ =	swait.ge [sflag:s16], $0x40  }
0x31: {  	[sflag:s16] =	ssyncset.done $0x0  }
0x32: {  	[sflag:s16] =	ssyncadd.s32 $0xFFFFFFC0  }
0x33: {  	[tilespmem:s23], [sflag:$0x1] =	stream.linear.gather [hbm4b:s6+s2], $0x40, $0x38;
	[tilespmem:$0x400] =	vst v63  }
0x34: {  	_ =	swait.ge [sflag:s16], $0x40  }
0x35: {  	[sflag:s16] =	ssyncset.done $0x0  }
0x36: {  	[sflag:s16] =	ssyncadd.s32 $0xFFFFFFC0  }
0x37: {  	v1 =	vld [tilespmem:$0x40]  }
0x38: {  	v2 =	vld [tilespmem:$0x0];
	_ =	sdelay $0x2  }
0x39: {  	v3 =	vld [tilespmem:$0x80]  }
0x3a: {  	vm0 =	vlt.f32 v1, $-Inf;
	vm1 =	vgt.f32 v1, $-Inf  }
0x3b: {  	vm8 =	vgt.f32 v1, v2;
	vm6 =	vmor vm1, vm0  }
0x3c: {  	v5 =	vld [tilespmem:$0xC0];
	vm9 =	vmneg vm8;
	v4 =	vnsel vm6, $0xFF800000, v1  }
0x3d: {  	v4 =	vsel vm9, v4, v2  }
0x3e: {  	v1 =	vsel vm9, v2, v1;
	vm14 =	vgt.f32 v3, v4  }
0x3f: {  	v26 =	vld [tilespmem:$0x100];
	vm11 =	vgt.f32 v3, v1;
	v2 =	vsel vm14, v3, v4  }
0x40: {  	v2 =	vsel vm11, v1, v2  }
0x41: {  	v1 =	vsel vm11, v3, v1;
	vm5 =	vgt.f32 v5, v2  }
0x42: {  	v3 =	vld [tilespmem:$0x140];
	vm7 =	vgt.f32 v5, v1;
	v2 =	vsel vm5, v5, v2  }
0x43: {  	v2 =	vsel vm7, v1, v2  }
0x44: {  	v1 =	vsel vm7, v5, v1;
	vm13 =	vgt.f32 v26, v2  }
0x45: {  	v27 =	vld [tilespmem:$0x180];
	vm2 =	vgt.f32 v26, v1;
	v2 =	vsel vm13, v26, v2  }
0x46: {  	v2 =	vsel vm2, v1, v2  }
0x47: {  	v1 =	vsel vm2, v26, v1;
	vm15 =	vgt.f32 v3, v2  }
0x48: {  	v28 =	vld [tilespmem:$0x1C0];
	vm1 =	vgt.f32 v3, v1;
	v2 =	vsel vm15, v3, v2  }
0x49: {  	v2 =	vsel vm1, v1, v2  }
0x4a: {  	v1 =	vsel vm1, v3, v1;
	vm4 =	vgt.f32 v27, v2  }
0x4b: {  	v3 =	vimm.s32 $0x0;
	vm12 =	vgt.f32 v27, v1;
	v2 =	vsel vm4, v27, v2  }
0x4c: {  	v3 =	vsel vm4, $0xFFFFFFFF, v3;
	v2 =	vsel vm12, v1, v2  }
0x4d: {  	[tilespmem:$0x1FF30] =	vst v3;
	v1 =	vsel vm12, v27, v1;
	v3 =	vimm.s32 $0x0;
	vm4 =	vgt.f32 v28, v2  }
0x4e: {  	vm10 =	vgt.f32 v28, v1;
	v3 =	vsel vm4, $0xFFFFFFFF, v3  }
0x4f: {  	vm3 =	vmneg vm10;
	v2 =	vsel vm4, v28, v2;
	[tilespmem:$0x1FF40] =	vst v3;
	v3 =	vld [tilespmem:$0x50]  }
0x50: {  	v2 =	vsel vm3, v2, v1;
	v1 =	vsel vm3, v1, v28  }
0x51: {  	v29 =	vld [tilespmem:$0x10];
	v1 =	vsub.f32 v2, v1  }
0x52: {  	v30 =	vimm.s32 $0x0  }
0x53: {  	v31 =	vimm.s32 $0x0;
	v33 =	vimm.s32 $0x0;
	v1 =	vmul.f32 $1.442695020e+00, v1  }
0x54: {  	v23 =	vimm.s32 $0x0;
	v2 =	vld [tilespmem:$0x90];
	vm10 =	vlt.f32 v3, $-Inf;
	vm0 =	vgt.f32 v3, $-Inf  }
0x55: {  	v53 =	vimm.s32 $0x0;
	(erf) = vpow2.f32 v1;
	vm4 =	vmor vm0, vm10  }
0x56: {  	v58 =	vimm.s32 $0x0;
	vm10 =	vgt.f32 v3, v29;
	v4 =	vsel vm4, $0xFFFFFFFF, v30  }
0x57: {  	v32 =	vld [tilespmem:$0xD0];
	v1 =	vnsel vm4, $0xFF800000, v3;
	[tilespmem:$0x1FF50] =	vst v4;
	v4 =	vsel vm10, $0xFFFFFFFF, v31;
	vm10 =	vmneg vm10  }
0x58: {  	v59 =	vimm.s32 $0x0;
	v60 =	vimm.s32 $0x0;
	v1 =	vsel vm10, v1, v29  }
0x59: {  	v61 =	vimm.s32 $0x0;
	v3 =	vsel vm10, v29, v3;
	vm0 =	vgt.f32 v2, v1  }
0x5a: {  	vm9 =	vmand vm9, vm6;
	vm6 =	vgt.f32 v2, v3;
	v1 =	vsel vm0, v2, v1  }
0x5b: {  	v34 =	vld [tilespmem:$0x110];
	v7 =	vsel vm8, $0x1, v0;
	v6 =	vsel vm9, $0x1, v0;
	v1 =	vsel vm6, v3, v1  }
0x5c: {  	v2 =	vsel vm6, v2, v3;
	v3 =	vimm.s32 $0x0;
	vm9 =	vgt.f32 v32, v1  }
0x5d: {  	v39 =	vld [tilespmem:$0x1FF30];
	vm8 =	vgt.f32 v32, v2;
	v3 =	vsel vm9, $0xFFFFFFFF, v3;
	v1 =	vsel vm9, v32, v1  }
0x5e: {  	v5 =	vsel vm0, $0xFFFFFFFF, v33;
	v36 =	vpop (erf);
	[tilespmem:$0x1FF80] =	vst v3;
	v3 =	vsel vm14, $0x2, v6;
	v1 =	vsel vm8, v2, v1  }
0x5f: {  	v35 =	vld [tilespmem:$0x150];
	[tilespmem:$0x1FF60] =	vst v4;
	v2 =	vsel vm8, v32, v2;
	v4 =	vadd.f32 $1.000000000e+00, v36;
	v3 =	vsel vm11, v7, v3  }
0x60: {  	v7 =	vsel vm11, $0x2, v7;
	vm9 =	vgt.f32 v34, v1;
	vm11 =	vgt.f32 v34, v2  }
0x61: {  	v3 =	vsel vm5, $0x3, v3;
	v1 =	vsel vm9, v34, v1;
	(erf) = vrcp.f32 v4  }
0x62: {  	v8 =	vld [tilespmem:$0x190];
	vm5 =	vnez.u8 v39;
	v3 =	vsel vm7, v7, v3;
	v7 =	vsel vm7, $0x3, v7  }
0x63: {  	v1 =	vsel vm11, v2, v1;
	v2 =	vsel vm11, v34, v2;
	v3 =	vsel vm13, $0x4, v3  }
0x64: {  	vm14 =	vgt.f32 v35, v1;
	vm13 =	vgt.f32 v35, v2;
	v38 =	vsel vm2, $0x4, v7  }
0x65: {  	v37 =	vld [tilespmem:$0x1D0];
	[tilespmem:$0x1FF70] =	vst v5;
	v1 =	vsel vm14, v35, v1;
	v3 =	vsel vm2, v7, v3;
	v5 =	vsel vm1, $0x5, v38  }
0x66: {  	v1 =	vsel vm13, v2, v1;
	v2 =	vsel vm13, v35, v2;
	v3 =	vsel vm15, $0x5, v3  }
0x67: {  	v40 =	vld [tilespmem:$0x1FF40];
	v41 =	vsel vm12, $0x6, v5;
	vm7 =	vgt.f32 v8, v1;
	vm2 =	vgt.f32 v8, v2  }
0x68: {  	v3 =	vsel vm1, v38, v3;
	v11 =	vnsel vm3, $0x7, v41;
	v1 =	vsel vm7, v8, v1  }
0x69: {  	v3 =	vsel vm5, $0x6, v3;
	v1 =	vsel vm2, v2, v1;
	v2 =	vsel vm2, v8, v2  }
0x6a: {  	vm0 =	veq.s32 v11, $0x1;
	vm4 =	vgt.f32 v37, v2;
	vm15 =	vgt.f32 v37, v1  }
0x6b: {  	v3 =	vsel vm12, v5, v3;
	vm1 =	vmneg vm4;
	v1 =	vsel vm15, v37, v1  }
0x6c: {  	vm4 =	vnez.u8 v40;
	v14 =	vpop (erf);
	v1 =	vsel vm1, v1, v2;
	v2 =	vsel vm1, v2, v37  }
0x6d: {  	v9 =	vld [tilespmem:$0x1FF50];
	v3 =	vsel vm4, $0x7, v3;
	v17 =	vsub.f32 $1.000000000e+00, v14;
	v1 =	vsub.f32 v1, v2  }
0x6e: {  	vm4 =	veq.s32 v11, $0x0;
	v5 =	vnsel vm0, $0x0, v14;
	v16 =	vsel vm3, v3, v41  }
0x6f: {  	vm5 =	veq.s32 v16, $0x0;
	vm0 =	veq.s32 v16, $0x1;
	v2 =	vmul.f32 $1.442695020e+00, v1  }
0x70: {  	v1 =	vnsel vm4, $0x0, v14;
	v4 =	vnsel vm5, $0x0, v17;
	vm4 =	veq.s32 v11, $0x2  }
0x71: {  	v42 =	vld [tilespmem:$0x1FF60];
	v10 =	vnsel vm0, $0x0, v17;
	vm5 =	veq.s32 v16, $0x2;
	vm0 =	veq.s32 v11, $0x3  }
0x72: {  	v7 =	vnsel vm5, $0x0, v17;
	v6 =	vnsel vm0, $0x0, v14;
	vm5 =	vnez.u8 v9  }
0x73: {  	v43 =	vld [tilespmem:$0x1FF70];
	v1 =	vadd.f32 v4, v1;
	(erf) = vpow2.f32 v2;
	v2 =	vnsel vm4, $0x0, v14  }
0x74: {  	vm4 =	veq.s32 v16, $0x3;
	vm0 =	vmand vm10, vm5;
	vm10 =	veq.s32 v16, $0x4  }
0x75: {  	v44 =	vld [tilespmem:$0x1FF80];
	v8 =	vnsel vm4, $0x0, v17;
	vm4 =	veq.s32 v11, $0x4;
	v9 =	vnsel vm10, $0x0, v17  }
0x76: {  	v12 =	vsel vm0, $0x1, v0;
	vm0 =	veq.s32 v11, $0x5;
	vm10 =	vnez.u8 v42  }
0x77: {  	v19 =	vld [tilespmem:$0x60];
	[tilespmem:$0x200] =	vst v1;
	v1 =	vadd.f32 v7, v2;
	v3 =	vnsel vm4, $0x0, v14;
	v13 =	vsel vm10, $0x1, v0  }
0x78: {  	vm4 =	veq.s32 v16, $0x5;
	vm10 =	vnez.u8 v43;
	v11 =	vnsel vm0, $0x0, v14  }
0x79: {  	v15 =	vsel vm10, $0x2, v12;
	v12 =	vnsel vm4, $0x0, v17;
	vm10 =	vmand vm12, vm3  }
0x7a: {  	v18 =	vsel vm6, $0x2, v13;
	vm12 =	vnez.u8 v44;
	[tilespmem:$0x280] =	vst v1;
	v1 =	vadd.f32 v9, v3  }
0x7b: {  	v21 =	vld [tilespmem:$0x20];
	v15 =	vsel vm6, v13, v15;
	v13 =	vnsel vm10, $0x0, v14;
	vm6 =	veq.s32 v16, $0x6  }
0x7c: {  	v14 =	vsel vm3, $0x0, v14;
	vm10 =	vgt.f32 v19, $-Inf;
	v15 =	vsel vm12, $0x3, v15  }
0x7d: {  	vm12 =	veq.s32 v16, $0x7;
	v15 =	vsel vm8, v18, v15;
	v18 =	vsel vm8, $0x3, v18  }
0x7e: {  	v16 =	vnsel vm12, $0x0, v17;
	v22 =	vsel vm9, $0x4, v15;
	v15 =	vnsel vm6, $0x0, v17;
	v20 =	vpop (erf)  }
0x7f: {  	vm9 =	vlt.f32 v19, $-Inf;
	v22 =	vsel vm11, v18, v22;
	v20 =	vadd.f32 $1.000000000e+00, v20  }
0x80: {  	v45 =	vld [tilespmem:$0xA0];
	v18 =	vsel vm11, $0x4, v18;
	vm11 =	vgt.f32 v19, v21;
	v22 =	vsel vm14, $0x5, v22  }
0x81: {  	v23 =	vsel vm11, $0xFFFFFFFF, v23;
	vm14 =	vmneg vm11;
	(erf) = vrcp.f32 v20  }
0x82: {  	v22 =	vsel vm13, v18, v22;
	v18 =	vsel vm13, $0x5, v18;
	vm13 =	vmor vm10, vm9  }
0x83: {  	v24 =	vld [tilespmem:$0xE0];
	v22 =	vsel vm7, $0x6, v22;
	v46 =	vnsel vm13, $0xFF800000, v19;
	v19 =	vsel vm14, v21, v19  }
0x84: {  	v47 =	vsel vm2, v18, v22;
	v48 =	vsel vm14, v46, v21;
	v18 =	vsel vm2, $0x6, v18  }
0x85: {  	vm5 =	vgt.f32 v45, v19;
	vm10 =	vgt.f32 v45, v48;
	v49 =	vsel vm15, $0x7, v47  }
0x86: {  	v50 =	vld [tilespmem:$0x120];
	v27 =	vnsel vm1, $0x7, v18;
	v52 =	vsel vm5, v45, v19;
	v22 =	vsel vm10, v45, v48  }
0x87: {  	v30 =	vsel vm1, v49, v18;
	vm15 =	veq.s32 v27, $0x0;
	v51 =	vsel vm5, v19, v22  }
0x88: {  	vm6 =	vgt.f32 v24, v52;
	vm11 =	veq.s32 v27, $0x1;
	vm12 =	vgt.f32 v24, v51  }
0x89: {  	v55 =	vld [tilespmem:$0x160];
	vm8 =	veq.s32 v27, $0x3;
	v19 =	vsel vm12, $0xFFFFFFFF, v53;
	v54 =	vsel vm12, v24, v51  }
0x8a: {  	vm9 =	veq.s32 v30, $0x0;
	v20 =	vsel vm6, v24, v52;
	[tilespmem:$0x1FFA0] =	vst v19;
	v19 =	vsel vm6, v52, v54;
	v33 =	vpop (erf)  }
0x8b: {  	vm0 =	veq.s32 v30, $0x1;
	v17 =	vnsel vm15, $0x0, v33;
	vm15 =	vgt.f32 v50, v19  }
0x8c: {  	v57 =	vld [tilespmem:$0x1A0];
	vm7 =	vgt.f32 v50, v20;
	v32 =	vsub.f32 $1.000000000e+00, v33;
	v56 =	vsel vm15, v50, v19  }
0x8d: {  	[tilespmem:$0x1FF90] =	vst v23;
	v23 =	vsel vm7, v50, v20;
	vm12 =	veq.s32 v27, $0x2;
	v21 =	vsel vm7, v20, v56  }
0x8e: {  	v18 =	vnsel vm11, $0x0, v33;
	v19 =	vnsel vm9, $0x0, v32;
	vm4 =	vgt.f32 v55, v21  }
0x8f: {  	v26 =	vld [tilespmem:$0x1E0];
	vm9 =	vgt.f32 v55, v23;
	v20 =	vsel vm4, $0xFFFFFFFF, v58;
	v25 =	vsel vm4, v55, v21  }
0x90: {  	v21 =	vnsel vm12, $0x0, v33;
	vm4 =	veq.s32 v30, $0x2;
	v25 =	vsel vm9, v23, v25  }
0x91: {  	[tilespmem:$0x1FFB0] =	vst v20;
	v20 =	vnsel vm0, $0x0, v32;
	v23 =	vsel vm9, v55, v23;
	vm11 =	vgt.f32 v57, v25  }
0x92: {  	v22 =	vnsel vm4, $0x0, v32;
	vm3 =	vgt.f32 v57, v23;
	v25 =	vsel vm11, v57, v25  }
0x93: {  	vm0 =	veq.s32 v30, $0x3;
	v28 =	vsel vm3, v57, v23;
	v25 =	vsel vm3, v23, v25  }
0x94: {  	v23 =	vnsel vm8, $0x0, v33;
	vm12 =	vgt.f32 v26, v28;
	vm8 =	vgt.f32 v26, v25  }
0x95: {  	v34 =	vld [tilespmem:$0x70];
	v24 =	vnsel vm0, $0x0, v32;
	vm4 =	vmneg vm12;
	v25 =	vsel vm8, v26, v25  }
0x96: {  	vm12 =	veq.s32 v27, $0x4;
	v26 =	vsel vm4, v28, v26;
	v25 =	vsel vm4, v25, v28  }
0x97: {  	v35 =	vld [tilespmem:$0x30];
	vm0 =	veq.s32 v30, $0x4;
	v28 =	vsub.f32 v25, v26;
	v25 =	vnsel vm12, $0x0, v33  }
0x98: {  	v26 =	vnsel vm0, $0x0, v32;
	vm0 =	vmand vm2, vm1;
	vm2 =	veq.s32 v27, $0x5  }
0x99: {  	v40 =	vld [tilespmem:$0x1FF90];
	vm12 =	veq.s32 v30, $0x5;
	v27 =	vnsel vm2, $0x0, v33;
	v29 =	vnsel vm0, $0x0, v33  }
0x9a: {  	vm0 =	vlt.f32 v34, $-Inf;
	vm2 =	vgt.f32 v34, $-Inf;
	v33 =	vsel vm1, $0x0, v33  }
0x9b: {  	v36 =	vld [tilespmem:$0xB0];
	v31 =	vmul.f32 $1.442695020e+00, v28;
	v28 =	vnsel vm12, $0x0, v32;
	vm0 =	vmor vm2, vm0  }
0x9c: {  	vm12 =	vmand vm14, vm13;
	vm14 =	vgt.f32 v34, v35;
	v37 =	vnsel vm0, $0xFF800000, v34  }
0x9d: {  	v38 =	vld [tilespmem:$0xF0];
	v39 =	vsel vm12, $0x1, v0;
	(erf) = vpow2.f32 v31;
	v31 =	vsel vm0, $0xFFFFFFFF, v59  }
0x9e: {  	v44 =	vld [tilespmem:$0x1FFA0];
	vm12 =	vnez.u8 v40;
	[tilespmem:$0x1FFC0] =	vst v31;
	v31 =	vsel vm14, $0xFFFFFFFF, v60;
	vm14 =	vmneg vm14  }
0x9f: {  	vm0 =	veq.s32 v30, $0x6;
	v40 =	vsel vm12, $0x1, v0;
	v37 =	vsel vm14, v37, v35  }
0xa0: {  	v62 =	vsel vm10, $0x2, v39;
	v34 =	vsel vm14, v35, v34;
	vm13 =	vgt.f32 v36, v37  }
0xa1: {  	v63 =	vld [tilespmem:$0x130];
	vm12 =	vgt.f32 v36, v34;
	v35 =	vsel vm13, $0xFFFFFFFF, v61;
	v37 =	vsel vm13, v36, v37  }
0xa2: {  	[tilespmem:$0x1FFE0] =	vst v35;
	v35 =	vsel vm5, v40, v62;
	v37 =	vsel vm12, v34, v37;
	v40 =	vsel vm5, $0x2, v40  }
0xa3: {  	v46 =	vld [tilespmem:$0x170];
	v34 =	vsel vm12, v36, v34;
	vm5 =	vnez.u8 v44;
	vm13 =	vgt.f32 v38, v37  }
0xa4: {  	v49 =	vld [tilespmem:$0x1FFB0];
	v35 =	vsel vm5, $0x3, v35;
	vm10 =	vgt.f32 v38, v34;
	v45 =	vsel vm13, v38, v37  }
0xa5: {  	[tilespmem:$0x1FFD0] =	vst v31;
	v31 =	vnsel vm0, $0x0, v32;
	v35 =	vsel vm6, v40, v35;
	v36 =	vsel vm10, v34, v45  }
0xa6: {  	v40 =	vsel vm6, $0x3, v40;
	v34 =	vsel vm10, v38, v34;
	vm0 =	vgt.f32 v63, v36  }
0xa7: {  	v48 =	vld [tilespmem:$0x1B0];
	v35 =	vsel vm15, $0x4, v35;
	vm6 =	vgt.f32 v63, v34;
	v36 =	vsel vm0, v63, v36  }
0xa8: {  	v35 =	vsel vm7, v40, v35;
	v40 =	vsel vm7, $0x4, v40;
	v36 =	vsel vm6, v34, v36  }
0xa9: {  	vm7 =	vnez.u8 v49;
	v34 =	vsel vm6, v63, v34;
	vm15 =	vgt.f32 v46, v36  }
0xaa: {  	v50 =	vld [tilespmem:$0x1F0];
	v41 =	vpop (erf);
	v35 =	vsel vm7, $0x5, v35;
	vm5 =	vgt.f32 v46, v34;
	v36 =	vsel vm15, v46, v36  }
0xab: {  	v41 =	vadd.f32 $1.000000000e+00, v41;
	v35 =	vsel vm9, v40, v35;
	v36 =	vsel vm5, v34, v36  }
0xac: {  	v40 =	vsel vm9, $0x5, v40;
	v34 =	vsel vm5, v46, v34;
	vm9 =	vgt.f32 v48, v36  }
0xad: {  	(erf) = vrcp.f32 v41;
	vm1 =	vgt.f32 v48, v34;
	v36 =	vsel vm9, v48, v36  }
0xae: {  	v12 =	vadd.f32 v12, v11;
	v36 =	vsel vm1, v34, v36;
	v34 =	vsel vm1, v48, v34  }
0xaf: {  	v35 =	vsel vm11, $0x6, v35;
	vm11 =	vgt.f32 v50, v34;
	vm7 =	vgt.f32 v50, v36  }
0xb0: {  	v16 =	vadd.f32 v16, v14;
	vm2 =	vmneg vm11;
	v36 =	vsel vm7, v50, v36  }
0xb1: {  	[tilespmem:$0x300] =	vst v1;
	v1 =	vadd.f32 v15, v13;
	v36 =	vsel vm2, v36, v34;
	v34 =	vsel vm2, v34, v50  }
0xb2: {  	v47 =	vimm.s32 $0x0;
	v19 =	vadd.f32 v19, v17;
	v34 =	vsub.f32 v36, v34  }
0xb3: {  	[tilespmem:$0x380] =	vst v1;
	v58 =	vadd.f32 v10, v5;
	v1 =	vadd.f32 v20, v18;
	v38 =	vsel vm0, $0xFFFFFFFF, v47  }
0xb4: {  	v22 =	vadd.f32 v22, v21;
	v24 =	vadd.f32 v24, v23;
	v34 =	vmul.f32 $1.442695020e+00, v34  }
0xb5: {  	v26 =	vadd.f32 v26, v25;
	v28 =	vadd.f32 v28, v27  }
0xb6: {  	v31 =	vadd.f32 v31, v29;
	[tilespmem:$0x1FFF0] =	vst v38;
	v35 =	vsel vm3, v40, v35;
	v38 =	vpop (erf);
	(erf) = vpow2.f32 v34  }
0xb7: {  	vm0 =	veq.s32 v30, $0x7;
	v51 =	vsel vm3, $0x6, v40;
	v35 =	vsel vm8, $0x7, v35  }
0xb8: {  	v30 =	vnsel vm0, $0x0, v32;
	v37 =	vnsel vm4, $0x7, v51;
	v35 =	vsel vm4, v35, v51  }
0xb9: {  	v63 =	vadd.f32 v8, v6;
	vm8 =	veq.s32 v37, $0x0;
	vm0 =	veq.s32 v35, $0x0  }
0xba: {  	v52 =	vsub.f32 $1.000000000e+00, v38;
	v53 =	vnsel vm8, $0x0, v38;
	vm8 =	veq.s32 v37, $0x1  }
0xbb: {  	vm11 =	veq.s32 v35, $0x1;
	v55 =	vnsel vm8, $0x0, v38;
	vm8 =	veq.s32 v37, $0x3  }
0xbc: {  	v59 =	vld [tilespmem:$0x1FFC0];
	v54 =	vnsel vm0, $0x0, v52;
	vm0 =	veq.s32 v37, $0x2;
	v56 =	vnsel vm11, $0x0, v52  }
0xbd: {  	v2 =	vld [tilespmem:$0x1FFD0];
	v43 =	vnsel vm8, $0x0, v38;
	vm11 =	veq.s32 v35, $0x3;
	vm8 =	veq.s32 v35, $0x4  }
0xbe: {  	v62 =	vld [tilespmem:$0x1FFE0];
	v42 =	vnsel vm0, $0x0, v38;
	vm0 =	veq.s32 v35, $0x2;
	v44 =	vnsel vm11, $0x0, v52  }
0xbf: {  	v46 =	vnsel vm8, $0x0, v52;
	vm8 =	veq.s32 v37, $0x5;
	vm11 =	vmand vm3, vm4;
	v3 =	vpop (erf)  }
0xc0: {  	v57 =	vnsel vm0, $0x0, v52;
	vm0 =	veq.s32 v37, $0x4;
	v3 =	vadd.f32 $1.000000000e+00, v3  }
0xc1: {  	v37 =	vnsel vm8, $0x0, v38;
	v48 =	vnsel vm11, $0x0, v38;
	vm11 =	vnez.u8 v59  }
0xc2: {  	v45 =	vnsel vm0, $0x0, v38;
	vm0 =	vmand vm14, vm11;
	(erf) = vrcp.f32 v3;
	v3 =	vld [tilespmem:$0x1FFF0]  }
0xc3: {  	vm11 =	vnez.u8 v2;
	vm14 =	vnez.u8 v62;
	v61 =	vsel vm0, $0x1, v0  }
0xc4: {  	[tilespmem:$0x340] =	vst v12;
	vm8 =	veq.s32 v35, $0x5;
	v2 =	vsel vm11, $0x1, v0;
	v7 =	vsel vm14, $0x2, v61  }
0xc5: {  	[tilespmem:$0x250] =	vst v1;
	v1 =	vadd.f32 v30, v33;
	v47 =	vnsel vm8, $0x0, v52;
	v10 =	vsel vm12, v2, v7  }
0xc6: {  	[tilespmem:$0x3C0] =	vst v16;
	vm8 =	veq.s32 v35, $0x6;
	v2 =	vsel vm12, $0x2, v2;
	v6 =	vsel vm13, $0x3, v10  }
0xc7: {  	[tilespmem:$0x210] =	vst v19;
	v60 =	vnsel vm8, $0x0, v52;
	v6 =	vsel vm10, v2, v6;
	vm8 =	vnez.u8 v3  }
0xc8: {  	[tilespmem:$0x240] =	vst v58;
	v36 =	vadd.f32 v54, v53;
	v2 =	vsel vm10, $0x3, v2;
	v3 =	vsel vm8, $0x4, v6  }
0xc9: {  	[tilespmem:$0x290] =	vst v22;
	v41 =	vadd.f32 v56, v55;
	v44 =	vadd.f32 v44, v43;
	v3 =	vsel vm6, v2, v3  }
0xca: {  	[tilespmem:$0x2D0] =	vst v24;
	v42 =	vadd.f32 v57, v42;
	v2 =	vsel vm6, $0x4, v2;
	v3 =	vsel vm15, $0x5, v3  }
0xcb: {  	[tilespmem:$0x310] =	vst v26;
	v46 =	vadd.f32 v46, v45;
	v47 =	vadd.f32 v47, v37;
	v3 =	vsel vm5, v2, v3  }
0xcc: {  	[tilespmem:$0x350] =	vst v28;
	v5 =	vadd.f32 v60, v48;
	v2 =	vsel vm5, $0x5, v2;
	v3 =	vsel vm9, $0x6, v3  }
0xcd: {  	[tilespmem:$0x390] =	vst v31;
	v48 =	vsel vm4, $0x0, v38;
	vm10 =	veq.s32 v35, $0x7;
	v3 =	vsel vm1, v2, v3  }
0xce: {  	[tilespmem:$0x2C0] =	vst v63;
	v49 =	vnsel vm10, $0x0, v52;
	v2 =	vsel vm1, $0x6, v2;
	v3 =	vsel vm7, $0x7, v3  }
0xcf: {  	[tilespmem:$0x3D0] =	vst v1;
	v7 =	vadd.f32 v49, v48;
	v50 =	vpop (erf);
	v1 =	vsel vm2, v3, v2;
	v2 =	vnsel vm2, $0x7, v2  }
0xd0: {  	[tilespmem:$0x220] =	vst v36;
	v3 =	vsub.f32 $1.000000000e+00, v50;
	vm11 =	veq.s32 v2, $0x0;
	vm12 =	veq.s32 v1, $0x0  }
0xd1: {  	[tilespmem:$0x260] =	vst v41;
	vm13 =	veq.s32 v2, $0x1;
	vm14 =	veq.s32 v1, $0x1;
	vm15 =	veq.s32 v2, $0x2  }
0xd2: {  	[tilespmem:$0x2E0] =	vst v44;
	vm6 =	veq.s32 v1, $0x2;
	vm7 =	veq.s32 v2, $0x3;
	vm8 =	veq.s32 v1, $0x3  }
0xd3: {  	[tilespmem:$0x2A0] =	vst v42;
	vm9 =	veq.s32 v2, $0x4;
	vm10 =	veq.s32 v1, $0x4;
	v51 =	vnsel vm11, $0x0, v50  }
0xd4: {  	[tilespmem:$0x320] =	vst v46;
	v52 =	vnsel vm12, $0x0, v3;
	v53 =	vnsel vm13, $0x0, v50;
	v54 =	vnsel vm14, $0x0, v3  }
0xd5: {  	[tilespmem:$0x360] =	vst v47;
	v55 =	vnsel vm15, $0x0, v50;
	v56 =	vnsel vm6, $0x0, v3;
	v58 =	vnsel vm7, $0x0, v50  }
0xd6: {  	[tilespmem:$0x3A0] =	vst v5;
	v59 =	vnsel vm8, $0x0, v3;
	v60 =	vnsel vm9, $0x0, v50;
	v6 =	vadd.f32 v52, v51  }
0xd7: {  	[tilespmem:$0x3E0] =	vst v7;
	vm11 =	veq.s32 v2, $0x5;
	v2 =	vnsel vm10, $0x0, v3;
	v4 =	vadd.f32 v54, v53  }
0xd8: {  	vm12 =	veq.s32 v1, $0x5;
	vm13 =	vmand vm1, vm2;
	v57 =	vadd.f32 v56, v55;
	[tilespmem:$0x230] =	vst v6  }
0xd9: {  	vm14 =	veq.s32 v1, $0x6;
	vm15 =	veq.s32 v1, $0x7;
	v5 =	vadd.f32 v59, v58;
	[tilespmem:$0x270] =	vst v4  }
0xda: {  	v2 =	vadd.f32 v2, v60;
	v63 =	vnsel vm13, $0x0, v50;
	v1 =	vnsel vm14, $0x0, v3;
	[tilespmem:$0x2B0] =	vst v57  }
0xdb: {  	v61 =	vnsel vm11, $0x0, v50;
	v62 =	vnsel vm12, $0x0, v3;
	v1 =	vadd.f32 v1, v63;
	[tilespmem:$0x2F0] =	vst v5  }
0xdc: {  	v3 =	vnsel vm15, $0x0, v3;
	v4 =	vadd.f32 v62, v61;
	[tilespmem:$0x330] =	vst v2;
	v2 =	vsel vm2, $0x0, v50  }
0xdd: {  	v2 =	vadd.f32 v3, v2;
	[tilespmem:$0x3B0] =	vst v1  }
0xde: {  	[tilespmem:$0x370] =	vst v4  }
0xdf: {  	[tilespmem:$0x3F0] =	vst v2  }
0xe0: {  	[hbm4b:s7+s2] =	stream.linear.scatter [tilespmem:s24], [sflag:$0x1], $0x40, $0x38;
	[tilespmem:$0x400] =	vst v63  }
0xe1: {  	_ =	swait.ge [sflag:s16], $0x40  }
0xe2: {  	[sflag:s16] =	ssyncset.done $0x0  }
0xe3: {  	[sflag:s16] =	ssyncadd.s32 $0xFFFFFFC0  }
0xe4: {  	[hbm4b:s8+s2] =	stream.linear.scatter [tilespmem:s25], [sflag:$0x1], $0x40, $0x38;
	[tilespmem:$0x400] =	vst v63  }
0xe5: {  	_ =	swait.ge [sflag:s16], $0x40  }
0xe6: {  	[sflag:s16] =	ssyncset.done $0x0  }
0xe7: {  	[sflag:s16] =	ssyncadd.s32 $0xFFFFFFC0  }
0xe8: {  	[hbm4b:s9+s2] =	stream.linear.scatter [tilespmem:s26], [sflag:$0x1], $0x40, $0x38;
	[tilespmem:$0x400] =	vst v63  }
0xe9: {  	_ =	swait.ge [sflag:s16], $0x40  }
0xea: {  	[sflag:s16] =	ssyncset.done $0x0  }
0xeb: {  	[sflag:s16] =	ssyncadd.s32 $0xFFFFFFC0  }
0xec: {  	[hbm4b:s10+s2] =	stream.linear.scatter [tilespmem:s28], [sflag:$0x1], $0x40, $0x38;
	[tilespmem:$0x400] =	vst v63  }
0xed: {  	_ =	swait.ge [sflag:s16], $0x40  }
0xee: {  	[sflag:s16] =	ssyncset.done $0x0  }
0xef: {  	[sflag:s16] =	ssyncadd.s32 $0xFFFFFFC0  }
0xf0: {  	[hbm4b:s11+s2] =	stream.linear.scatter [tilespmem:s29], [sflag:$0x1], $0x40, $0x38;
	[tilespmem:$0x400] =	vst v63  }
0xf1: {  	_ =	swait.ge [sflag:s16], $0x40  }
0xf2: {  	[sflag:s16] =	ssyncset.done $0x0  }
0xf3: {  	[sflag:s16] =	ssyncadd.s32 $0xFFFFFFC0  }
0xf4: {  	[hbm4b:s12+s2] =	stream.linear.scatter [tilespmem:s30], [sflag:$0x1], $0x40, $0x38;
	[tilespmem:$0x400] =	vst v63  }
0xf5: {  	_ =	swait.ge [sflag:s16], $0x40  }
0xf6: {  	[sflag:s16] =	ssyncset.done $0x0  }
0xf7: {  	[sflag:s16] =	ssyncadd.s32 $0xFFFFFFC0  }
0xf8: {  	[hbm4b:s13+s2] =	stream.linear.scatter [tilespmem:s31], [sflag:$0x1], $0x40, $0x38;
	[tilespmem:$0x400] =	vst v63  }
0xf9: {  	_ =	swait.ge [sflag:s16], $0x40  }
0xfa: {  	p0 =	sne.s32 s15, $0x1;
	[sflag:s16] =	ssyncset.done $0x0  }
.Ltmp0:
0xfb: {  	[sflag:s16] =	ssyncadd.s32 $0xFFFFFFC0;
	(pc) =	sbr.rel @p0 .LBB2_1-.Ltmp0, $4  }
0xfc: {  	[hbm4b:s14+s2] =	stream.linear.scatter [tilespmem:s0], [sflag:$0x1], $0x40, $0x38;
	[tilespmem:$0x400] =	vst v63  }
0xfd: {  	_ =	swait.ge [sflag:s16], $0x40  }
0xfe: {  	[sflag:s16] =	ssyncset.done $0x0  }
0xff: {  	s15 =	sadd.s32 $0xFFFFFFFF, s15;
	[sflag:s16] =	ssyncadd.s32 $0xFFFFFFC0  }
0x100: {  	_ =	sfence.sel $0x180000  }
0x101: {  	[bflag:$0x0] =	sbarrier.arrive $0xFFFF  }
0x102: {  	_ =	strace $0x90000047  }
0x103: {  	s0 =	stileid.u32;
	[bflag:$0x2] =	sbarrier.arrive $0xFFFF  }
0x104: {  	p0 =	sne.s32 s0, $0x0;
	s0 =	rddreg [dreg:$0x2]  }
0x105: {  	s0 =	sadd.s32 @!p0 $0x100000, s0  }
0x106: {  	[sflag:s0] =	ssyncadd.tile.s32 @!p0 $0x1;
	_ =	shalt  }
.Lfunc_end2:
_tile_overlayer_lowered:
.L_overlay_start_2:
0x107: {  	(tag) =	ssettag $0x2  }
0x108: {  	s0 =	rddreg [dreg:$0x0];
	s2 =	stileid.u32  }
0x109: {  	s1 =	rddreg [dreg:$0x1];
	p0 =	sne.s32 s2, $0x0  }
0x10a: {  	s3 =	rddreg [dreg:$0x2];
	[bflag:$0x3] =	sbarrier.arrive $0xFFFF;
	s2 =	simm.s32 @!p0 $0x1C01  }
0x10b: {  	[timem:s3], [sflag:s2] =	dma.local @!p0 [hbm:s0], s1  }
0x10c: {  	s0 =	simm.s32 @!p0 $0x1  }
0x10d: {  	_ =	swait.ge @!p0 [sflag:s0], s1  }
0x10e: {  	s1 =	ssub.s32 @!p0 $0x0, s1;
	[sflag:s0] =	ssyncset.done @!p0 $0x0  }
0x10f: {  	[sflag:s0] =	ssyncadd.s32 @!p0 s1  }
0x110: {  	[bflag:$0x3] =	sbarrier.arrive $0xFFFF  }
0x111: {  	_ =	shalt  }

</sc_bundles>
